<compile_context>
chip_gen: v7x
topology: tpu7x:2x2x1
jax: 0.10.2.dev20260603
libtpu: 0.0.44.dev20260713+nightly
codegen_flags: <defaults>
</compile_context>

<pallas_src>
import functools

import jax
import jax.numpy as jnp
from jax import lax
from jax.experimental import pallas as pl
from jax.experimental.pallas import tpu as pltpu
from jax.experimental.pallas import tpu_sc as plsc

D_STATE = 8
D_OBS = 8
_N = 2048
_L = 16


def _log_normal(x, mean, logstd):
    z = (x - mean) / jnp.exp(logstd)
    return jnp.sum(-0.5 * z * z - logstd - 0.5 * jnp.log(2.0 * jnp.pi), axis=-1)


def _normalise(logw):
    norm = jax.scipy.special.logsumexp(logw, axis=1, keepdims=True)
    return logw - norm, norm[:, 0] - jnp.log(float(logw.shape[1]))


@functools.lru_cache(maxsize=None)
def _build_resampler(B):
    N = _N
    L = _L
    info = plsc.get_sparse_core_info()
    nc, ns = info.num_cores, info.num_subcores
    nw = nc * ns
    nb = B // nw
    assert nb * nw == B
    mesh = plsc.VectorSubcoreMesh(core_axis_name="c", subcore_axis_name="s")

    @functools.partial(
        pl.kernel,
        out_type=jax.ShapeDtypeStruct((B, D_STATE, N), jnp.float32),
        mesh=mesh,
        compiler_params=pltpu.CompilerParams(
            needs_layout_passes=False, use_tc_tiling_on_sc=False
        ),
        scratch_types=[
            pltpu.VMEM((nb, N), jnp.float32),
            pltpu.VMEM((nb, D_STATE, N), jnp.float32),
            pltpu.VMEM((nb, D_STATE, N), jnp.float32),
            pltpu.VMEM((nb, L), jnp.float32),
            pltpu.VMEM((N + L,), jnp.int32),
            pltpu.SemaphoreType.DMA,
            pltpu.SemaphoreType.DMA,
            pltpu.SemaphoreType.DMA,
        ],
    )
    def resample(cum_hbm, off_hbm, state_hbm, out_hbm, cum_v, st_v, out_v, off_v, hist_v, semi0, semi1, semo):
        cid = lax.axis_index("c")
        sid = lax.axis_index("s")
        wid = sid * nc + cid
        b0 = wid * nb
        ones16 = jnp.ones((L,), jnp.int32)
        zeros16 = jnp.zeros((L,), jnp.int32)
        sems = (semi0, semi1)
        handles = []
        for bi in range(nb):
            handles.append((
                pltpu.async_copy(cum_hbm.at[b0 + bi], cum_v.at[bi], sems[bi]),
                pltpu.async_copy(off_hbm.at[b0 + bi], off_v.at[bi], sems[bi]),
                pltpu.async_copy(state_hbm.at[b0 + bi], st_v.at[bi], sems[bi]),
            ))

        def zero_body(v, c):
            hist_v[pl.ds(v * L, L)] = zeros16
            return c

        lax.fori_loop(0, (N + L) // L, zero_body, 0, unroll=4)

        out_handles = []
        for bi in range(nb):
            for h in handles[bi]:
                h.wait()
            off = off_v[bi]
            cum_b = cum_v.at[bi]
            st_b = st_v.at[bi]
            out_b = out_v.at[bi]

            def c_body(v, c):
                cumn = cum_b[pl.ds(v * L, L)] * jnp.float32(N)
                x = cumn - off
                j0 = x.astype(jnp.int32) - 1
                cnt = zeros16
                for k in range(4):
                    pj = (j0 + k).astype(jnp.float32) + off
                    cnt = cnt + jnp.where(pj > cumn, 0, 1)
                ci = j0 + cnt
                ci = jnp.minimum(jnp.maximum(ci, 0), N)
                plsc.addupdate_scatter(hist_v, [ci], ones16)
                return c

            lax.fori_loop(0, N // L, c_body, 0, unroll=4)

            def g_body(v, carry):
                h = hist_v[pl.ds(v * L, L)]
                hist_v[pl.ds(v * L, L)] = zeros16
                idx = plsc.cumsum(h) + carry
                for d in range(D_STATE):
                    dsp = jnp.full((L,), d, jnp.int32)
                    g = plsc.load_gather(st_b, [dsp, idx])
                    out_b[d, pl.ds(v * L, L)] = g
                return jnp.max(idx)

            lax.fori_loop(0, N // L, g_body, jnp.int32(0), unroll=2)
            out_handles.append(
                pltpu.async_copy(out_v.at[bi], out_hbm.at[b0 + bi], semo))
        for h in out_handles:
            h.wait()

    return resample


def _systematic_sc(key, state, weights, resampler):
    B, N = weights.shape
    w = jax.lax.stop_gradient(weights)
    offset = jax.random.uniform(key, (B,), dtype=jnp.float32)
    cum = jnp.cumsum(jnp.exp(w), axis=1)
    cum = jnp.where(cum > 1.0, 1.0, cum)
    cum = cum.at[:, -1].set(1.0)
    off_s = jnp.broadcast_to(offset[:, None], (B, _L))
    state_t = jnp.transpose(state, (0, 2, 1))
    new_state_t = resampler(cum, off_s, state_t)
    return jnp.transpose(new_state_t, (0, 2, 1))


def kernel(data, init_mean, init_logstd, trans_A, trans_logstd, obs_C, obs_logstd, n_particles, time_extent):
    key = jax.random.key(42)
    T1, B, _ = data.shape
    N = _N
    T_static = T1 - 1
    zero_dep = jnp.float32(0.0) * (jnp.asarray(n_particles, dtype=jnp.float32) + jnp.asarray(time_extent, dtype=jnp.float32))
    k0 = jax.random.fold_in(key, 0)
    eps0 = jax.random.normal(k0, (B, N, D_STATE), dtype=jnp.float32)
    state = init_mean + jnp.exp(init_logstd) * eps0 + zero_dep
    logw = _log_normal(data[0][:, None, :], state @ obs_C.T, obs_logstd)
    weight, likelihood = _normalise(logw)
    out0 = jnp.sum(jnp.exp(weight)[:, :, None] * state, axis=1)
    outs = jnp.zeros((T_static + 1, B, D_STATE), jnp.float32).at[0].set(out0)
    resampler = _build_resampler(B)

    def step(t, carry):
        state, weight, outs = carry
        kr = jax.random.fold_in(key, 2 * t)
        kp = jax.random.fold_in(key, 2 * t + 1)
        state = _systematic_sc(kr, state, weight, resampler)
        weight = jnp.zeros_like(weight)
        eps = jax.random.normal(kp, (B, N, D_STATE), dtype=jnp.float32)
        state = state @ trans_A.T + jnp.exp(trans_logstd) * eps
        logw = weight + _log_normal(jax.lax.dynamic_index_in_dim(data, t, 0, keepdims=False)[:, None, :], state @ obs_C.T, obs_logstd)
        weight, _ = _normalise(logw)
        outs = outs.at[t].set(jnp.sum(jnp.exp(weight)[:, :, None] * state, axis=1))
        return state, weight, outs

    state, weight, outs = jax.lax.fori_loop(1, T_static + 1, step, (state, weight, outs))
    return outs

# --- scband reference (transcript-rebuilt; emitter-appended) ---
"""Pipeline reference for scband-stabilised-stop-gradient-dpf-36086315221165 (READ-ONLY COPY).

The authoritative reference and input builder live on the scoring server;
editing this copy changes nothing except your own understanding.
"""

import jax, jax.numpy as jnp
import numpy as np

D_STATE = 8
D_OBS = 8


def _log_normal(x, mean, logstd):
    z = (x - mean) / jnp.exp(logstd)
    return jnp.sum(-0.5 * z * z - logstd - 0.5 * jnp.log(2.0 * jnp.pi), axis=-1)


def _normalise(logw):
    norm = jax.scipy.special.logsumexp(logw, axis=1, keepdims=True)
    return logw - norm, norm[:, 0] - jnp.log(float(logw.shape[1]))


def _systematic(key, state, weights):
    B, N = weights.shape
    w = jax.lax.stop_gradient(weights)
    offset = jax.random.uniform(key, (B,), dtype=jnp.float32)
    cum = jnp.cumsum(jnp.exp(w), axis=1)
    cum = jnp.where(cum > 1.0, 1.0, cum)
    cum = cum.at[:, -1].set(1.0)
    points = jnp.arange(N, dtype=jnp.float32)[None, :] + offset[:, None]
    idx = jax.vmap(jnp.searchsorted)(cum * N, points)
    idx = jnp.clip(idx, 0, N - 1)
    new_state = jnp.take_along_axis(state, idx[:, :, None], axis=1)
    return new_state, idx


def _pf_forward(data, init_mean, init_logstd, trans_A, trans_logstd, obs_C, obs_logstd, n_particles, time_extent):
    key = jax.random.key(42)
    T1, B, _ = data.shape
    N = 2048
    T_static = T1 - 1
    zero_dep = jnp.float32(0.0) * (jnp.asarray(n_particles, dtype=jnp.float32) + jnp.asarray(time_extent, dtype=jnp.float32))
    k0 = jax.random.fold_in(key, 0)
    eps0 = jax.random.normal(k0, (B, N, D_STATE), dtype=jnp.float32)
    state = init_mean + jnp.exp(init_logstd) * eps0 + zero_dep
    logw = _log_normal(data[0][:, None, :], state @ obs_C.T, obs_logstd)
    weight, likelihood = _normalise(logw)
    outs = [jnp.sum(jnp.exp(weight)[:, :, None] * state, axis=1)]
    for t in range(1, T_static + 1):
        kr = jax.random.fold_in(key, 2 * t)
        kp = jax.random.fold_in(key, 2 * t + 1)
        state, idx = _systematic(kr, state, weight)
        rw = jnp.take_along_axis(weight, idx, axis=1)
        weight = rw - jax.lax.stop_gradient(rw)
        eps = jax.random.normal(kp, (B, N, D_STATE), dtype=jnp.float32)
        state = state @ trans_A.T + jnp.exp(trans_logstd) * eps
        logw = weight + _log_normal(data[t][:, None, :], state @ obs_C.T, obs_logstd)
        weight, likelihood = _normalise(logw)
        outs.append(jnp.sum(jnp.exp(weight)[:, :, None] * state, axis=1))
    return jnp.stack(outs, axis=0)


def setup_inputs(seed: int = 0):
    key = jax.random.key(seed)
    ks = jax.random.split(key, 6)
    B, T, N = 64, 16, 2048
    data = jax.random.normal(ks[0], (T + 1, B, D_OBS), dtype=jnp.float32)
    init_mean = 0.1 * jax.random.normal(ks[1], (D_STATE,), dtype=jnp.float32)
    init_logstd = jnp.zeros((D_STATE,), dtype=jnp.float32)
    trans_A = jnp.eye(D_STATE, dtype=jnp.float32) + 0.05 * jax.random.normal(ks[2], (D_STATE, D_STATE), dtype=jnp.float32)
    trans_logstd = jnp.full((D_STATE,), -1.0, dtype=jnp.float32)
    obs_C = 0.3 * jax.random.normal(ks[3], (D_OBS, D_STATE), dtype=jnp.float32)
    obs_logstd = jnp.zeros((D_OBS,), dtype=jnp.float32)
    return {"data": data, "init_mean": init_mean, "init_logstd": init_logstd, "trans_A": trans_A, "trans_logstd": trans_logstd, "obs_C": obs_C, "obs_logstd": obs_logstd, "n_particles": N, "time_extent": T}


def reference(data, init_mean, init_logstd, trans_A, trans_logstd, obs_C, obs_logstd, n_particles, time_extent):
    return _pf_forward(data, init_mean, init_logstd, trans_A, trans_logstd, obs_C, obs_logstd, n_particles, time_extent)

if __name__ == "__main__":
    import jax
    _d = setup_inputs()
    print(jax.jit(kernel)(*tuple(_d.values())))

</pallas_src>

<mosaic_0001>
#map = affine_map<(d0, d1) -> (0, 0)>
#map1 = affine_map<(d0, d1) -> (0, 0, 0)>
module attributes {stable_mosaic.version = 14 : i64} {
  func.func @resample(%arg0: i32, %arg1: i32, %arg2: memref<64x2048xf32, #tpu.memory_space<hbm>>, %arg3: memref<64x16xf32, #tpu.memory_space<hbm>>, %arg4: memref<64x8x2048xf32, #tpu.memory_space<hbm>>, %arg5: memref<64x8x2048xf32, #tpu.memory_space<hbm>>, %arg6: memref<2x2048xf32, #tpu.memory_space<vmem>>, %arg7: memref<2x8x2048xf32, #tpu.memory_space<vmem>>, %arg8: memref<2x8x2048xf32, #tpu.memory_space<vmem>>, %arg9: memref<2x16xf32, #tpu.memory_space<vmem>>, %arg10: memref<2064xi32, #tpu.memory_space<vmem>>, %arg11: memref<!tpu.dma_semaphore, #tpu.memory_space<semaphore_mem>>, %arg12: memref<!tpu.dma_semaphore, #tpu.memory_space<semaphore_mem>>, %arg13: memref<!tpu.dma_semaphore, #tpu.memory_space<semaphore_mem>>) attributes {dimension_semantics = [#tpu.dimension_semantics<core_parallel>, #tpu.dimension_semantics<subcore_parallel>], iteration_bounds = array<i64: 2, 16>, scalar_prefetch = 0 : i64, scratch_operands = 8 : i64, tpu.core_type = #tpu.core_type<sc_vector_subcore>, window_params = [{transform_indices = #map}, {transform_indices = #map}, {transform_indices = #map1}, {transform_indices = #map1}]} {
    %mul3A = arith.constant 2 : i32
    %mul3A_0 = arith.muli %arg1, %mul3A : i32
    %add3A = arith.addi %mul3A_0, %arg0 : i32
    %mul3A_1 = arith.constant 2 : i32
    %mul3A_2 = arith.muli %add3A, %mul3A_1 : i32
    %broadcast_in_dim3A = arith.constant 1 : i32
    %broadcast_in_dim3A_3 = vector.broadcast %broadcast_in_dim3A : i32 to vector<16xi32>
    %broadcast_in_dim3A_4 = arith.constant 0 : i32
    %broadcast_in_dim3A_5 = vector.broadcast %broadcast_in_dim3A_4 : i32 to vector<16xi32>
    %add3A_6 = arith.constant 0 : i32
    %add3A_7 = arith.addi %mul3A_2, %add3A_6 : i32
    %dma_start3A = arith.constant 0 : i32
    %dma_start3A_8 = arith.constant 0 : i32
    %dma_start3A_9 = tpu.memref_slice %arg6[%dma_start3A, %dma_start3A_8] : memref<2x2048xf32, #tpu.memory_space<vmem>> -> memref<1x2048xf32, #tpu.memory_space<vmem>>
    %dma_start3A_10 = tpu.memref_squeeze %dma_start3A_9 : memref<1x2048xf32, #tpu.memory_space<vmem>> -> memref<2048xf32, #tpu.memory_space<vmem>>
    %dma_start3A_11 = arith.constant 0 : i32
    %dma_start3A_12 = tpu.memref_slice %arg2[%add3A_7, %dma_start3A_11] : memref<64x2048xf32, #tpu.memory_space<hbm>> -> memref<1x2048xf32, #tpu.memory_space<hbm>>
    %dma_start3A_13 = tpu.memref_squeeze %dma_start3A_12 : memref<1x2048xf32, #tpu.memory_space<hbm>> -> memref<2048xf32, #tpu.memory_space<hbm>>
    %dma_start3A_14 = arith.constant 0 : i32
    %dma_start3A_15 = tpu.memref_slice %arg6[%dma_start3A, %dma_start3A_14] : memref<2x2048xf32, #tpu.memory_space<vmem>> -> memref<1x2048xf32, #tpu.memory_space<vmem>>
    %dma_start3A_16 = tpu.memref_squeeze %dma_start3A_15 : memref<1x2048xf32, #tpu.memory_space<vmem>> -> memref<2048xf32, #tpu.memory_space<vmem>>
    %dma_start3A_17 = arith.constant 0 : i32
    %dma_start3A_18 = tpu.memref_slice %arg2[%add3A_7, %dma_start3A_17] : memref<64x2048xf32, #tpu.memory_space<hbm>> -> memref<1x2048xf32, #tpu.memory_space<hbm>>
    %dma_start3A_19 = tpu.memref_squeeze %dma_start3A_18 : memref<1x2048xf32, #tpu.memory_space<hbm>> -> memref<2048xf32, #tpu.memory_space<hbm>>
    tpu.enqueue_dma source(%dma_start3A_19 : memref<2048xf32, #tpu.memory_space<hbm>>) target(%dma_start3A_16 : memref<2048xf32, #tpu.memory_space<vmem>>) target_semaphore(%arg11 : memref<!tpu.dma_semaphore, #tpu.memory_space<semaphore_mem>>)
    %add3A_20 = arith.constant 0 : i32
    %add3A_21 = arith.addi %mul3A_2, %add3A_20 : i32
    %dma_start3A_22 = arith.constant 0 : i32
    %dma_start3A_23 = arith.constant 0 : i32
    %dma_start3A_24 = tpu.memref_slice %arg9[%dma_start3A_22, %dma_start3A_23] : memref<2x16xf32, #tpu.memory_space<vmem>> -> memref<1x16xf32, #tpu.memory_space<vmem>>
    %dma_start3A_25 = tpu.memref_squeeze %dma_start3A_24 : memref<1x16xf32, #tpu.memory_space<vmem>> -> memref<16xf32, #tpu.memory_space<vmem>>
    %dma_start3A_26 = arith.constant 0 : i32
    %dma_start3A_27 = tpu.memref_slice %arg3[%add3A_21, %dma_start3A_26] : memref<64x16xf32, #tpu.memory_space<hbm>> -> memref<1x16xf32, #tpu.memory_space<hbm>>
    %dma_start3A_28 = tpu.memref_squeeze %dma_start3A_27 : memref<1x16xf32, #tpu.memory_space<hbm>> -> memref<16xf32, #tpu.memory_space<hbm>>
    %dma_start3A_29 = arith.constant 0 : i32
    %dma_start3A_30 = tpu.memref_slice %arg9[%dma_start3A_22, %dma_start3A_29] : memref<2x16xf32, #tpu.memory_space<vmem>> -> memref<1x16xf32, #tpu.memory_space<vmem>>
    %dma_start3A_31 = tpu.memref_squeeze %dma_start3A_30 : memref<1x16xf32, #tpu.memory_space<vmem>> -> memref<16xf32, #tpu.memory_space<vmem>>
    %dma_start3A_32 = arith.constant 0 : i32
    %dma_start3A_33 = tpu.memref_slice %arg3[%add3A_21, %dma_start3A_32] : memref<64x16xf32, #tpu.memory_space<hbm>> -> memref<1x16xf32, #tpu.memory_space<hbm>>
    %dma_start3A_34 = tpu.memref_squeeze %dma_start3A_33 : memref<1x16xf32, #tpu.memory_space<hbm>> -> memref<16xf32, #tpu.memory_space<hbm>>
    tpu.enqueue_dma source(%dma_start3A_34 : memref<16xf32, #tpu.memory_space<hbm>>) target(%dma_start3A_31 : memref<16xf32, #tpu.memory_space<vmem>>) target_semaphore(%arg11 : memref<!tpu.dma_semaphore, #tpu.memory_space<semaphore_mem>>)
    %add3A_35 = arith.constant 0 : i32
    %add3A_36 = arith.addi %mul3A_2, %add3A_35 : i32
    %dma_start3A_37 = arith.constant 0 : i32
    %dma_start3A_38 = arith.constant 0 : i32
    %dma_start3A_39 = arith.constant 0 : i32
    %dma_start3A_40 = tpu.memref_slice %arg7[%dma_start3A_37, %dma_start3A_38, %dma_start3A_39] : memref<2x8x2048xf32, #tpu.memory_space<vmem>> -> memref<1x8x2048xf32, #tpu.memory_space<vmem>>
    %dma_start3A_41 = tpu.memref_squeeze %dma_start3A_40 : memref<1x8x2048xf32, #tpu.memory_space<vmem>> -> memref<8x2048xf32, #tpu.memory_space<vmem>>
    %dma_start3A_42 = arith.constant 0 : i32
    %dma_start3A_43 = arith.constant 0 : i32
    %dma_start3A_44 = tpu.memref_slice %arg4[%add3A_36, %dma_start3A_42, %dma_start3A_43] : memref<64x8x2048xf32, #tpu.memory_space<hbm>> -> memref<1x8x2048xf32, #tpu.memory_space<hbm>>
    %dma_start3A_45 = tpu.memref_squeeze %dma_start3A_44 : memref<1x8x2048xf32, #tpu.memory_space<hbm>> -> memref<8x2048xf32, #tpu.memory_space<hbm>>
    %dma_start3A_46 = arith.constant 0 : i32
    %dma_start3A_47 = arith.constant 0 : i32
    %dma_start3A_48 = tpu.memref_slice %arg7[%dma_start3A_37, %dma_start3A_46, %dma_start3A_47] : memref<2x8x2048xf32, #tpu.memory_space<vmem>> -> memref<1x8x2048xf32, #tpu.memory_space<vmem>>
    %dma_start3A_49 = tpu.memref_squeeze %dma_start3A_48 : memref<1x8x2048xf32, #tpu.memory_space<vmem>> -> memref<8x2048xf32, #tpu.memory_space<vmem>>
    %dma_start3A_50 = arith.constant 0 : i32
    %dma_start3A_51 = arith.constant 0 : i32
    %dma_start3A_52 = tpu.memref_slice %arg4[%add3A_36, %dma_start3A_50, %dma_start3A_51] : memref<64x8x2048xf32, #tpu.memory_space<hbm>> -> memref<1x8x2048xf32, #tpu.memory_space<hbm>>
    %dma_start3A_53 = tpu.memref_squeeze %dma_start3A_52 : memref<1x8x2048xf32, #tpu.memory_space<hbm>> -> memref<8x2048xf32, #tpu.memory_space<hbm>>
    tpu.enqueue_dma source(%dma_start3A_53 : memref<8x2048xf32, #tpu.memory_space<hbm>>) target(%dma_start3A_49 : memref<8x2048xf32, #tpu.memory_space<vmem>>) target_semaphore(%arg11 : memref<!tpu.dma_semaphore, #tpu.memory_space<semaphore_mem>>)
    %add3A_54 = arith.constant 1 : i32
    %add3A_55 = arith.addi %mul3A_2, %add3A_54 : i32
    %dma_start3A_56 = arith.constant 1 : i32
    %dma_start3A_57 = arith.constant 0 : i32
    %dma_start3A_58 = tpu.memref_slice %arg6[%dma_start3A_56, %dma_start3A_57] : memref<2x2048xf32, #tpu.memory_space<vmem>> -> memref<1x2048xf32, #tpu.memory_space<vmem>>
    %dma_start3A_59 = tpu.memref_squeeze %dma_start3A_58 : memref<1x2048xf32, #tpu.memory_space<vmem>> -> memref<2048xf32, #tpu.memory_space<vmem>>
    %dma_start3A_60 = arith.constant 0 : i32
    %dma_start3A_61 = tpu.memref_slice %arg2[%add3A_55, %dma_start3A_60] : memref<64x2048xf32, #tpu.memory_space<hbm>> -> memref<1x2048xf32, #tpu.memory_space<hbm>>
    %dma_start3A_62 = tpu.memref_squeeze %dma_start3A_61 : memref<1x2048xf32, #tpu.memory_space<hbm>> -> memref<2048xf32, #tpu.memory_space<hbm>>
    %dma_start3A_63 = arith.constant 0 : i32
    %dma_start3A_64 = tpu.memref_slice %arg6[%dma_start3A_56, %dma_start3A_63] : memref<2x2048xf32, #tpu.memory_space<vmem>> -> memref<1x2048xf32, #tpu.memory_space<vmem>>
    %dma_start3A_65 = tpu.memref_squeeze %dma_start3A_64 : memref<1x2048xf32, #tpu.memory_space<vmem>> -> memref<2048xf32, #tpu.memory_space<vmem>>
    %dma_start3A_66 = arith.constant 0 : i32
    %dma_start3A_67 = tpu.memref_slice %arg2[%add3A_55, %dma_start3A_66] : memref<64x2048xf32, #tpu.memory_space<hbm>> -> memref<1x2048xf32, #tpu.memory_space<hbm>>
    %dma_start3A_68 = tpu.memref_squeeze %dma_start3A_67 : memref<1x2048xf32, #tpu.memory_space<hbm>> -> memref<2048xf32, #tpu.memory_space<hbm>>
    tpu.enqueue_dma source(%dma_start3A_68 : memref<2048xf32, #tpu.memory_space<hbm>>) target(%dma_start3A_65 : memref<2048xf32, #tpu.memory_space<vmem>>) target_semaphore(%arg12 : memref<!tpu.dma_semaphore, #tpu.memory_space<semaphore_mem>>)
    %add3A_69 = arith.constant 1 : i32
    %add3A_70 = arith.addi %mul3A_2, %add3A_69 : i32
    %dma_start3A_71 = arith.constant 1 : i32
    %dma_start3A_72 = arith.constant 0 : i32
    %dma_start3A_73 = tpu.memref_slice %arg9[%dma_start3A_71, %dma_start3A_72] : memref<2x16xf32, #tpu.memory_space<vmem>> -> memref<1x16xf32, #tpu.memory_space<vmem>>
    %dma_start3A_74 = tpu.memref_squeeze %dma_start3A_73 : memref<1x16xf32, #tpu.memory_space<vmem>> -> memref<16xf32, #tpu.memory_space<vmem>>
    %dma_start3A_75 = arith.constant 0 : i32
    %dma_start3A_76 = tpu.memref_slice %arg3[%add3A_70, %dma_start3A_75] : memref<64x16xf32, #tpu.memory_space<hbm>> -> memref<1x16xf32, #tpu.memory_space<hbm>>
    %dma_start3A_77 = tpu.memref_squeeze %dma_start3A_76 : memref<1x16xf32, #tpu.memory_space<hbm>> -> memref<16xf32, #tpu.memory_space<hbm>>
    %dma_start3A_78 = arith.constant 0 : i32
    %dma_start3A_79 = tpu.memref_slice %arg9[%dma_start3A_71, %dma_start3A_78] : memref<2x16xf32, #tpu.memory_space<vmem>> -> memref<1x16xf32, #tpu.memory_space<vmem>>
    %dma_start3A_80 = tpu.memref_squeeze %dma_start3A_79 : memref<1x16xf32, #tpu.memory_space<vmem>> -> memref<16xf32, #tpu.memory_space<vmem>>
    %dma_start3A_81 = arith.constant 0 : i32
    %dma_start3A_82 = tpu.memref_slice %arg3[%add3A_70, %dma_start3A_81] : memref<64x16xf32, #tpu.memory_space<hbm>> -> memref<1x16xf32, #tpu.memory_space<hbm>>
    %dma_start3A_83 = tpu.memref_squeeze %dma_start3A_82 : memref<1x16xf32, #tpu.memory_space<hbm>> -> memref<16xf32, #tpu.memory_space<hbm>>
    tpu.enqueue_dma source(%dma_start3A_83 : memref<16xf32, #tpu.memory_space<hbm>>) target(%dma_start3A_80 : memref<16xf32, #tpu.memory_space<vmem>>) target_semaphore(%arg12 : memref<!tpu.dma_semaphore, #tpu.memory_space<semaphore_mem>>)
    %add3A_84 = arith.constant 1 : i32
    %add3A_85 = arith.addi %mul3A_2, %add3A_84 : i32
    %dma_start3A_86 = arith.constant 1 : i32
    %dma_start3A_87 = arith.constant 0 : i32
    %dma_start3A_88 = arith.constant 0 : i32
    %dma_start3A_89 = tpu.memref_slice %arg7[%dma_start3A_86, %dma_start3A_87, %dma_start3A_88] : memref<2x8x2048xf32, #tpu.memory_space<vmem>> -> memref<1x8x2048xf32, #tpu.memory_space<vmem>>
    %dma_start3A_90 = tpu.memref_squeeze %dma_start3A_89 : memref<1x8x2048xf32, #tpu.memory_space<vmem>> -> memref<8x2048xf32, #tpu.memory_space<vmem>>
    %dma_start3A_91 = arith.constant 0 : i32
    %dma_start3A_92 = arith.constant 0 : i32
    %dma_start3A_93 = tpu.memref_slice %arg4[%add3A_85, %dma_start3A_91, %dma_start3A_92] : memref<64x8x2048xf32, #tpu.memory_space<hbm>> -> memref<1x8x2048xf32, #tpu.memory_space<hbm>>
    %dma_start3A_94 = tpu.memref_squeeze %dma_start3A_93 : memref<1x8x2048xf32, #tpu.memory_space<hbm>> -> memref<8x2048xf32, #tpu.memory_space<hbm>>
    %dma_start3A_95 = arith.constant 0 : i32
    %dma_start3A_96 = arith.constant 0 : i32
    %dma_start3A_97 = tpu.memref_slice %arg7[%dma_start3A_86, %dma_start3A_95, %dma_start3A_96] : memref<2x8x2048xf32, #tpu.memory_space<vmem>> -> memref<1x8x2048xf32, #tpu.memory_space<vmem>>
    %dma_start3A_98 = tpu.memref_squeeze %dma_start3A_97 : memref<1x8x2048xf32, #tpu.memory_space<vmem>> -> memref<8x2048xf32, #tpu.memory_space<vmem>>
    %dma_start3A_99 = arith.constant 0 : i32
    %dma_start3A_100 = arith.constant 0 : i32
    %dma_start3A_101 = tpu.memref_slice %arg4[%add3A_85, %dma_start3A_99, %dma_start3A_100] : memref<64x8x2048xf32, #tpu.memory_space<hbm>> -> memref<1x8x2048xf32, #tpu.memory_space<hbm>>
    %dma_start3A_102 = tpu.memref_squeeze %dma_start3A_101 : memref<1x8x2048xf32, #tpu.memory_space<hbm>> -> memref<8x2048xf32, #tpu.memory_space<hbm>>
    tpu.enqueue_dma source(%dma_start3A_102 : memref<8x2048xf32, #tpu.memory_space<hbm>>) target(%dma_start3A_98 : memref<8x2048xf32, #tpu.memory_space<vmem>>) target_semaphore(%arg12 : memref<!tpu.dma_semaphore, #tpu.memory_space<semaphore_mem>>)
    %scan3A = arith.constant 0 : i32
    %scan3A_103 = arith.constant 0 : i32
    %scan3A_104 = arith.constant 128 : i32
    %scan3A_105 = arith.addi %scan3A_103, %scan3A_104 : i32
    %scan3A_106 = arith.constant 4 : i32
    scf.for %scan3A_309 = %scan3A_103 to %scan3A_105 step %scan3A_106  : i32 {
      %mul3A_310 = arith.constant 16 : i32
      %mul3A_311 = arith.muli %scan3A_309, %mul3A_310 : i32
      %swap3A_312 = arith.index_cast %mul3A_311 : i32 to index
      %swap3A_313 = tpu.vector_load %arg10[%swap3A_312] {strides = array<i32>} : memref<2064xi32, #tpu.memory_space<vmem>>, vector<16xi32>,
      tpu.vector_store %arg10[%swap3A_312], %broadcast_in_dim3A_5 {strides = array<i32>} : memref<2064xi32, #tpu.memory_space<vmem>>, vector<16xi32>,
      %scan3A_314 = arith.constant 1 : i32
      %scan3A_315 = arith.addi %scan3A_309, %scan3A_314 : i32
      %mul3A_316 = arith.constant 16 : i32
      %mul3A_317 = arith.muli %scan3A_315, %mul3A_316 : i32
      %swap3A_318 = arith.index_cast %mul3A_317 : i32 to index
      %swap3A_319 = tpu.vector_load %arg10[%swap3A_318] {strides = array<i32>} : memref<2064xi32, #tpu.memory_space<vmem>>, vector<16xi32>,
      tpu.vector_store %arg10[%swap3A_318], %broadcast_in_dim3A_5 {strides = array<i32>} : memref<2064xi32, #tpu.memory_space<vmem>>, vector<16xi32>,
      %scan3A_320 = arith.constant 2 : i32
      %scan3A_321 = arith.addi %scan3A_309, %scan3A_320 : i32
      %mul3A_322 = arith.constant 16 : i32
      %mul3A_323 = arith.muli %scan3A_321, %mul3A_322 : i32
      %swap3A_324 = arith.index_cast %mul3A_323 : i32 to index
      %swap3A_325 = tpu.vector_load %arg10[%swap3A_324] {strides = array<i32>} : memref<2064xi32, #tpu.memory_space<vmem>>, vector<16xi32>,
      tpu.vector_store %arg10[%swap3A_324], %broadcast_in_dim3A_5 {strides = array<i32>} : memref<2064xi32, #tpu.memory_space<vmem>>, vector<16xi32>,
      %scan3A_326 = arith.constant 3 : i32
      %scan3A_327 = arith.addi %scan3A_309, %scan3A_326 : i32
      %mul3A_328 = arith.constant 16 : i32
      %mul3A_329 = arith.muli %scan3A_327, %mul3A_328 : i32
      %swap3A_330 = arith.index_cast %mul3A_329 : i32 to index
      %swap3A_331 = tpu.vector_load %arg10[%swap3A_330] {strides = array<i32>} : memref<2064xi32, #tpu.memory_space<vmem>>, vector<16xi32>,
      tpu.vector_store %arg10[%swap3A_330], %broadcast_in_dim3A_5 {strides = array<i32>} : memref<2064xi32, #tpu.memory_space<vmem>>, vector<16xi32>,
    }
    %scan3A_107 = arith.constant 128 : i32
    %scan3A_108 = arith.addi %scan3A_103, %scan3A_107 : i32
    %mul3A_109 = arith.constant 16 : i32
    %mul3A_110 = arith.muli %scan3A_108, %mul3A_109 : i32
    %swap3A = arith.index_cast %mul3A_110 : i32 to index
    %swap3A_111 = tpu.vector_load %arg10[%swap3A] {strides = array<i32>} : memref<2064xi32, #tpu.memory_space<vmem>>, vector<16xi32>,
    tpu.vector_store %arg10[%swap3A], %broadcast_in_dim3A_5 {strides = array<i32>} : memref<2064xi32, #tpu.memory_space<vmem>>, vector<16xi32>,
    %scan3A_112 = arith.constant 129 : i32
    %dma_wait3A = arith.constant 0 : i32
    %dma_wait3A_113 = arith.constant 0 : i32
    %dma_wait3A_114 = tpu.memref_slice %arg6[%dma_wait3A, %dma_wait3A_113] : memref<2x2048xf32, #tpu.memory_space<vmem>> -> memref<1x2048xf32, #tpu.memory_space<vmem>>
    %dma_wait3A_115 = tpu.memref_squeeze %dma_wait3A_114 : memref<1x2048xf32, #tpu.memory_space<vmem>> -> memref<2048xf32, #tpu.memory_space<vmem>>
    %dma_wait3A_116 = arith.constant 0 : i32
    %dma_wait3A_117 = tpu.memref_slice %arg2[%add3A_7, %dma_wait3A_116] : memref<64x2048xf32, #tpu.memory_space<hbm>> -> memref<1x2048xf32, #tpu.memory_space<hbm>>
    %dma_wait3A_118 = tpu.memref_squeeze %dma_wait3A_117 : memref<1x2048xf32, #tpu.memory_space<hbm>> -> memref<2048xf32, #tpu.memory_space<hbm>>
    %dma_wait3A_119 = arith.constant 0 : i32
    %dma_wait3A_120 = tpu.memref_slice %arg6[%dma_wait3A, %dma_wait3A_119] : memref<2x2048xf32, #tpu.memory_space<vmem>> -> memref<1x2048xf32, #tpu.memory_space<vmem>>
    %dma_wait3A_121 = tpu.memref_squeeze %dma_wait3A_120 : memref<1x2048xf32, #tpu.memory_space<vmem>> -> memref<2048xf32, #tpu.memory_space<vmem>>
    %dma_wait3A_122 = arith.constant 0 : i32
    %dma_wait3A_123 = tpu.memref_slice %arg2[%add3A_7, %dma_wait3A_122] : memref<64x2048xf32, #tpu.memory_space<hbm>> -> memref<1x2048xf32, #tpu.memory_space<hbm>>
    %dma_wait3A_124 = tpu.memref_squeeze %dma_wait3A_123 : memref<1x2048xf32, #tpu.memory_space<hbm>> -> memref<2048xf32, #tpu.memory_space<hbm>>
    tpu.wait_dma2 semaphore(%arg11 : memref<!tpu.dma_semaphore, #tpu.memory_space<semaphore_mem>>) src(%dma_wait3A_124 : memref<2048xf32, #tpu.memory_space<hbm>>) dst(%dma_wait3A_121 : memref<2048xf32, #tpu.memory_space<vmem>>)
    %dma_wait3A_125 = arith.constant 0 : i32
    %dma_wait3A_126 = arith.constant 0 : i32
    %dma_wait3A_127 = tpu.memref_slice %arg9[%dma_wait3A_125, %dma_wait3A_126] : memref<2x16xf32, #tpu.memory_space<vmem>> -> memref<1x16xf32, #tpu.memory_space<vmem>>
    %dma_wait3A_128 = tpu.memref_squeeze %dma_wait3A_127 : memref<1x16xf32, #tpu.memory_space<vmem>> -> memref<16xf32, #tpu.memory_space<vmem>>
    %dma_wait3A_129 = arith.constant 0 : i32
    %dma_wait3A_130 = tpu.memref_slice %arg3[%add3A_21, %dma_wait3A_129] : memref<64x16xf32, #tpu.memory_space<hbm>> -> memref<1x16xf32, #tpu.memory_space<hbm>>
    %dma_wait3A_131 = tpu.memref_squeeze %dma_wait3A_130 : memref<1x16xf32, #tpu.memory_space<hbm>> -> memref<16xf32, #tpu.memory_space<hbm>>
    %dma_wait3A_132 = arith.constant 0 : i32
    %dma_wait3A_133 = tpu.memref_slice %arg9[%dma_wait3A_125, %dma_wait3A_132] : memref<2x16xf32, #tpu.memory_space<vmem>> -> memref<1x16xf32, #tpu.memory_space<vmem>>
    %dma_wait3A_134 = tpu.memref_squeeze %dma_wait3A_133 : memref<1x16xf32, #tpu.memory_space<vmem>> -> memref<16xf32, #tpu.memory_space<vmem>>
    %dma_wait3A_135 = arith.constant 0 : i32
    %dma_wait3A_136 = tpu.memref_slice %arg3[%add3A_21, %dma_wait3A_135] : memref<64x16xf32, #tpu.memory_space<hbm>> -> memref<1x16xf32, #tpu.memory_space<hbm>>
    %dma_wait3A_137 = tpu.memref_squeeze %dma_wait3A_136 : memref<1x16xf32, #tpu.memory_space<hbm>> -> memref<16xf32, #tpu.memory_space<hbm>>
    tpu.wait_dma2 semaphore(%arg11 : memref<!tpu.dma_semaphore, #tpu.memory_space<semaphore_mem>>) src(%dma_wait3A_137 : memref<16xf32, #tpu.memory_space<hbm>>) dst(%dma_wait3A_134 : memref<16xf32, #tpu.memory_space<vmem>>)
    %dma_wait3A_138 = arith.constant 0 : i32
    %dma_wait3A_139 = arith.constant 0 : i32
    %dma_wait3A_140 = arith.constant 0 : i32
    %dma_wait3A_141 = tpu.memref_slice %arg7[%dma_wait3A_138, %dma_wait3A_139, %dma_wait3A_140] : memref<2x8x2048xf32, #tpu.memory_space<vmem>> -> memref<1x8x2048xf32, #tpu.memory_space<vmem>>
    %dma_wait3A_142 = tpu.memref_squeeze %dma_wait3A_141 : memref<1x8x2048xf32, #tpu.memory_space<vmem>> -> memref<8x2048xf32, #tpu.memory_space<vmem>>
    %dma_wait3A_143 = arith.constant 0 : i32
    %dma_wait3A_144 = arith.constant 0 : i32
    %dma_wait3A_145 = tpu.memref_slice %arg4[%add3A_36, %dma_wait3A_143, %dma_wait3A_144] : memref<64x8x2048xf32, #tpu.memory_space<hbm>> -> memref<1x8x2048xf32, #tpu.memory_space<hbm>>
    %dma_wait3A_146 = tpu.memref_squeeze %dma_wait3A_145 : memref<1x8x2048xf32, #tpu.memory_space<hbm>> -> memref<8x2048xf32, #tpu.memory_space<hbm>>
    %dma_wait3A_147 = arith.constant 0 : i32
    %dma_wait3A_148 = arith.constant 0 : i32
    %dma_wait3A_149 = tpu.memref_slice %arg7[%dma_wait3A_138, %dma_wait3A_147, %dma_wait3A_148] : memref<2x8x2048xf32, #tpu.memory_space<vmem>> -> memref<1x8x2048xf32, #tpu.memory_space<vmem>>
    %dma_wait3A_150 = tpu.memref_squeeze %dma_wait3A_149 : memref<1x8x2048xf32, #tpu.memory_space<vmem>> -> memref<8x2048xf32, #tpu.memory_space<vmem>>
    %dma_wait3A_151 = arith.constant 0 : i32
    %dma_wait3A_152 = arith.constant 0 : i32
    %dma_wait3A_153 = tpu.memref_slice %arg4[%add3A_36, %dma_wait3A_151, %dma_wait3A_152] : memref<64x8x2048xf32, #tpu.memory_space<hbm>> -> memref<1x8x2048xf32, #tpu.memory_space<hbm>>
    %dma_wait3A_154 = tpu.memref_squeeze %dma_wait3A_153 : memref<1x8x2048xf32, #tpu.memory_space<hbm>> -> memref<8x2048xf32, #tpu.memory_space<hbm>>
    tpu.wait_dma2 semaphore(%arg11 : memref<!tpu.dma_semaphore, #tpu.memory_space<semaphore_mem>>) src(%dma_wait3A_154 : memref<8x2048xf32, #tpu.memory_space<hbm>>) dst(%dma_wait3A_150 : memref<8x2048xf32, #tpu.memory_space<vmem>>)
    %get3A = arith.constant 0 : i32
    %get3A_155 = arith.index_cast %get3A : i32 to index
    %get3A_156 = arith.constant 0 : index
    %get3A_157 = tpu.vector_load %arg9[%get3A_155, %get3A_156] {strides = array<i32>} : memref<2x16xf32, #tpu.memory_space<vmem>>, vector<16xf32>,
    %scan3A_158 = arith.constant 0 : i32
    %scan3A_159 = arith.constant 0 : i32
    %scan3A_160 = arith.constant 0 : i32
    %scan3A_161 = arith.constant 128 : i32
    %scan3A_162 = arith.addi %scan3A_160, %scan3A_161 : i32
    %scan3A_163 = arith.constant 4 : i32
    scf.for %scan3A_309 = %scan3A_160 to %scan3A_162 step %scan3A_163  : i32 {
      %mul3A_310 = arith.constant 16 : i32
      %mul3A_311 = arith.muli %scan3A_309, %mul3A_310 : i32
      %get3A_312 = arith.constant 0 : i32
      %get3A_313 = tpu.memref_slice %arg6[%scan3A_159, %get3A_312] : memref<2x2048xf32, #tpu.memory_space<vmem>> -> memref<1x2048xf32, #tpu.memory_space<vmem>>
      %get3A_314 = tpu.memref_squeeze %get3A_313 : memref<1x2048xf32, #tpu.memory_space<vmem>> -> memref<2048xf32, #tpu.memory_space<vmem>>
      %get3A_315 = arith.index_cast %mul3A_311 : i32 to index
      %get3A_316 = tpu.vector_load %get3A_314[%get3A_315] {strides = array<i32>} : memref<2048xf32, #tpu.memory_space<vmem>>, vector<16xf32>,
      %mul3A_317 = arith.constant 2.048000e+03 : f32
      %mul3A_318 = vector.broadcast %mul3A_317 : f32 to vector<16xf32>
      %mul3A_319 = arith.mulf %get3A_316, %mul3A_318 : vector<16xf32>
      %sub3A = arith.subf %mul3A_319, %get3A_157 : vector<16xf32>
      %convert_element_type3A = arith.fptosi %sub3A : vector<16xf32> to vector<16xi32>
      %sub3A_320 = arith.constant 1 : i32
      %sub3A_321 = vector.broadcast %sub3A_320 : i32 to vector<16xi32>
      %sub3A_322 = arith.subi %convert_element_type3A, %sub3A_321 : vector<16xi32>
      %add3A_323 = arith.constant 0 : i32
      %add3A_324 = vector.broadcast %add3A_323 : i32 to vector<16xi32>
      %add3A_325 = arith.addi %sub3A_322, %add3A_324 : vector<16xi32>
      %convert_element_type3A_326 = arith.sitofp %add3A_325 : vector<16xi32> to vector<16xf32>
      %add3A_327 = arith.addf %convert_element_type3A_326, %get3A_157 : vector<16xf32>
      %gt3A = arith.cmpf ogt, %add3A_327, %mul3A_319 : vector<16xf32>
      %jit3A = arith.constant 0 : i32
      %jit3A_328 = arith.constant 1 : i32
      %broadcast_in_dim3A_329 = vector.broadcast %jit3A : i32 to vector<16xi32>
      %broadcast_in_dim3A_330 = vector.broadcast %jit3A_328 : i32 to vector<16xi32>
      %select_n3A = arith.select %gt3A, %broadcast_in_dim3A_329, %broadcast_in_dim3A_330 : vector<16xi1>, vector<16xi32>
      %add3A_331 = arith.addi %broadcast_in_dim3A_5, %select_n3A : vector<16xi32>
      %add3A_332 = arith.constant 1 : i32
      %add3A_333 = vector.broadcast %add3A_332 : i32 to vector<16xi32>
      %add3A_334 = arith.addi %sub3A_322, %add3A_333 : vector<16xi32>
      %convert_element_type3A_335 = arith.sitofp %add3A_334 : vector<16xi32> to vector<16xf32>
      %add3A_336 = arith.addf %convert_element_type3A_335, %get3A_157 : vector<16xf32>
      %gt3A_337 = arith.cmpf ogt, %add3A_336, %mul3A_319 : vector<16xf32>
      %jit3A_338 = arith.constant 0 : i32
      %jit3A_339 = arith.constant 1 : i32
      %broadcast_in_dim3A_340 = vector.broadcast %jit3A_338 : i32 to vector<16xi32>
      %broadcast_in_dim3A_341 = vector.broadcast %jit3A_339 : i32 to vector<16xi32>
      %select_n3A_342 = arith.select %gt3A_337, %broadcast_in_dim3A_340, %broadcast_in_dim3A_341 : vector<16xi1>, vector<16xi32>
      %add3A_343 = arith.addi %add3A_331, %select_n3A_342 : vector<16xi32>
      %add3A_344 = arith.constant 2 : i32
      %add3A_345 = vector.broadcast %add3A_344 : i32 to vector<16xi32>
      %add3A_346 = arith.addi %sub3A_322, %add3A_345 : vector<16xi32>
      %convert_element_type3A_347 = arith.sitofp %add3A_346 : vector<16xi32> to vector<16xf32>
      %add3A_348 = arith.addf %convert_element_type3A_347, %get3A_157 : vector<16xf32>
      %gt3A_349 = arith.cmpf ogt, %add3A_348, %mul3A_319 : vector<16xf32>
      %jit3A_350 = arith.constant 0 : i32
      %jit3A_351 = arith.constant 1 : i32
      %broadcast_in_dim3A_352 = vector.broadcast %jit3A_350 : i32 to vector<16xi32>
      %broadcast_in_dim3A_353 = vector.broadcast %jit3A_351 : i32 to vector<16xi32>
      %select_n3A_354 = arith.select %gt3A_349, %broadcast_in_dim3A_352, %broadcast_in_dim3A_353 : vector<16xi1>, vector<16xi32>
      %add3A_355 = arith.addi %add3A_343, %select_n3A_354 : vector<16xi32>
      %add3A_356 = arith.constant 3 : i32
      %add3A_357 = vector.broadcast %add3A_356 : i32 to vector<16xi32>
      %add3A_358 = arith.addi %sub3A_322, %add3A_357 : vector<16xi32>
      %convert_element_type3A_359 = arith.sitofp %add3A_358 : vector<16xi32> to vector<16xf32>
      %add3A_360 = arith.addf %convert_element_type3A_359, %get3A_157 : vector<16xf32>
      %gt3A_361 = arith.cmpf ogt, %add3A_360, %mul3A_319 : vector<16xf32>
      %jit3A_362 = arith.constant 0 : i32
      %jit3A_363 = arith.constant 1 : i32
      %broadcast_in_dim3A_364 = vector.broadcast %jit3A_362 : i32 to vector<16xi32>
      %broadcast_in_dim3A_365 = vector.broadcast %jit3A_363 : i32 to vector<16xi32>
      %select_n3A_366 = arith.select %gt3A_361, %broadcast_in_dim3A_364, %broadcast_in_dim3A_365 : vector<16xi1>, vector<16xi32>
      %add3A_367 = arith.addi %add3A_355, %select_n3A_366 : vector<16xi32>
      %add3A_368 = arith.addi %sub3A_322, %add3A_367 : vector<16xi32>
      %max3A = arith.constant 0 : i32
      %max3A_369 = vector.broadcast %max3A : i32 to vector<16xi32>
      %max3A_370 = arith.maxsi %add3A_368, %max3A_369 : vector<16xi32>
      %min3A = arith.constant 2048 : i32
      %min3A_371 = vector.broadcast %min3A : i32 to vector<16xi32>
      %min3A_372 = arith.minsi %max3A_370, %min3A_371 : vector<16xi32>
      tpu.vector_store_idx %arg10[%min3A_372], %broadcast_in_dim3A_3 {add = true} : memref<2064xi32, #tpu.memory_space<vmem>>[vector<16xi32>], vector<16xi32>,
      %scan3A_373 = arith.constant 1 : i32
      %scan3A_374 = arith.addi %scan3A_309, %scan3A_373 : i32
      %mul3A_375 = arith.constant 16 : i32
      %mul3A_376 = arith.muli %scan3A_374, %mul3A_375 : i32
      %get3A_377 = arith.constant 0 : i32
      %get3A_378 = tpu.memref_slice %arg6[%scan3A_159, %get3A_377] : memref<2x2048xf32, #tpu.memory_space<vmem>> -> memref<1x2048xf32, #tpu.memory_space<vmem>>
      %get3A_379 = tpu.memref_squeeze %get3A_378 : memref<1x2048xf32, #tpu.memory_space<vmem>> -> memref<2048xf32, #tpu.memory_space<vmem>>
      %get3A_380 = arith.index_cast %mul3A_376 : i32 to index
      %get3A_381 = tpu.vector_load %get3A_379[%get3A_380] {strides = array<i32>} : memref<2048xf32, #tpu.memory_space<vmem>>, vector<16xf32>,
      %mul3A_382 = arith.constant 2.048000e+03 : f32
      %mul3A_383 = vector.broadcast %mul3A_382 : f32 to vector<16xf32>
      %mul3A_384 = arith.mulf %get3A_381, %mul3A_383 : vector<16xf32>
      %sub3A_385 = arith.subf %mul3A_384, %get3A_157 : vector<16xf32>
      %convert_element_type3A_386 = arith.fptosi %sub3A_385 : vector<16xf32> to vector<16xi32>
      %sub3A_387 = arith.constant 1 : i32
      %sub3A_388 = vector.broadcast %sub3A_387 : i32 to vector<16xi32>
      %sub3A_389 = arith.subi %convert_element_type3A_386, %sub3A_388 : vector<16xi32>
      %add3A_390 = arith.constant 0 : i32
      %add3A_391 = vector.broadcast %add3A_390 : i32 to vector<16xi32>
      %add3A_392 = arith.addi %sub3A_389, %add3A_391 : vector<16xi32>
      %convert_element_type3A_393 = arith.sitofp %add3A_392 : vector<16xi32> to vector<16xf32>
      %add3A_394 = arith.addf %convert_element_type3A_393, %get3A_157 : vector<16xf32>
      %gt3A_395 = arith.cmpf ogt, %add3A_394, %mul3A_384 : vector<16xf32>
      %jit3A_396 = arith.constant 0 : i32
      %jit3A_397 = arith.constant 1 : i32
      %broadcast_in_dim3A_398 = vector.broadcast %jit3A_396 : i32 to vector<16xi32>
      %broadcast_in_dim3A_399 = vector.broadcast %jit3A_397 : i32 to vector<16xi32>
      %select_n3A_400 = arith.select %gt3A_395, %broadcast_in_dim3A_398, %broadcast_in_dim3A_399 : vector<16xi1>, vector<16xi32>
      %add3A_401 = arith.addi %broadcast_in_dim3A_5, %select_n3A_400 : vector<16xi32>
      %add3A_402 = arith.constant 1 : i32
      %add3A_403 = vector.broadcast %add3A_402 : i32 to vector<16xi32>
      %add3A_404 = arith.addi %sub3A_389, %add3A_403 : vector<16xi32>
      %convert_element_type3A_405 = arith.sitofp %add3A_404 : vector<16xi32> to vector<16xf32>
      %add3A_406 = arith.addf %convert_element_type3A_405, %get3A_157 : vector<16xf32>
      %gt3A_407 = arith.cmpf ogt, %add3A_406, %mul3A_384 : vector<16xf32>
      %jit3A_408 = arith.constant 0 : i32
      %jit3A_409 = arith.constant 1 : i32
      %broadcast_in_dim3A_410 = vector.broadcast %jit3A_408 : i32 to vector<16xi32>
      %broadcast_in_dim3A_411 = vector.broadcast %jit3A_409 : i32 to vector<16xi32>
      %select_n3A_412 = arith.select %gt3A_407, %broadcast_in_dim3A_410, %broadcast_in_dim3A_411 : vector<16xi1>, vector<16xi32>
      %add3A_413 = arith.addi %add3A_401, %select_n3A_412 : vector<16xi32>
      %add3A_414 = arith.constant 2 : i32
      %add3A_415 = vector.broadcast %add3A_414 : i32 to vector<16xi32>
      %add3A_416 = arith.addi %sub3A_389, %add3A_415 : vector<16xi32>
      %convert_element_type3A_417 = arith.sitofp %add3A_416 : vector<16xi32> to vector<16xf32>
      %add3A_418 = arith.addf %convert_element_type3A_417, %get3A_157 : vector<16xf32>
      %gt3A_419 = arith.cmpf ogt, %add3A_418, %mul3A_384 : vector<16xf32>
      %jit3A_420 = arith.constant 0 : i32
      %jit3A_421 = arith.constant 1 : i32
      %broadcast_in_dim3A_422 = vector.broadcast %jit3A_420 : i32 to vector<16xi32>
      %broadcast_in_dim3A_423 = vector.broadcast %jit3A_421 : i32 to vector<16xi32>
      %select_n3A_424 = arith.select %gt3A_419, %broadcast_in_dim3A_422, %broadcast_in_dim3A_423 : vector<16xi1>, vector<16xi32>
      %add3A_425 = arith.addi %add3A_413, %select_n3A_424 : vector<16xi32>
      %add3A_426 = arith.constant 3 : i32
      %add3A_427 = vector.broadcast %add3A_426 : i32 to vector<16xi32>
      %add3A_428 = arith.addi %sub3A_389, %add3A_427 : vector<16xi32>
      %convert_element_type3A_429 = arith.sitofp %add3A_428 : vector<16xi32> to vector<16xf32>
      %add3A_430 = arith.addf %convert_element_type3A_429, %get3A_157 : vector<16xf32>
      %gt3A_431 = arith.cmpf ogt, %add3A_430, %mul3A_384 : vector<16xf32>
      %jit3A_432 = arith.constant 0 : i32
      %jit3A_433 = arith.constant 1 : i32
      %broadcast_in_dim3A_434 = vector.broadcast %jit3A_432 : i32 to vector<16xi32>
      %broadcast_in_dim3A_435 = vector.broadcast %jit3A_433 : i32 to vector<16xi32>
      %select_n3A_436 = arith.select %gt3A_431, %broadcast_in_dim3A_434, %broadcast_in_dim3A_435 : vector<16xi1>, vector<16xi32>
      %add3A_437 = arith.addi %add3A_425, %select_n3A_436 : vector<16xi32>
      %add3A_438 = arith.addi %sub3A_389, %add3A_437 : vector<16xi32>
      %max3A_439 = arith.constant 0 : i32
      %max3A_440 = vector.broadcast %max3A_439 : i32 to vector<16xi32>
      %max3A_441 = arith.maxsi %add3A_438, %max3A_440 : vector<16xi32>
      %min3A_442 = arith.constant 2048 : i32
      %min3A_443 = vector.broadcast %min3A_442 : i32 to vector<16xi32>
      %min3A_444 = arith.minsi %max3A_441, %min3A_443 : vector<16xi32>
      tpu.vector_store_idx %arg10[%min3A_444], %broadcast_in_dim3A_3 {add = true} : memref<2064xi32, #tpu.memory_space<vmem>>[vector<16xi32>], vector<16xi32>,
      %scan3A_445 = arith.constant 2 : i32
      %scan3A_446 = arith.addi %scan3A_309, %scan3A_445 : i32
      %mul3A_447 = arith.constant 16 : i32
      %mul3A_448 = arith.muli %scan3A_446, %mul3A_447 : i32
      %get3A_449 = arith.constant 0 : i32
      %get3A_450 = tpu.memref_slice %arg6[%scan3A_159, %get3A_449] : memref<2x2048xf32, #tpu.memory_space<vmem>> -> memref<1x2048xf32, #tpu.memory_space<vmem>>
      %get3A_451 = tpu.memref_squeeze %get3A_450 : memref<1x2048xf32, #tpu.memory_space<vmem>> -> memref<2048xf32, #tpu.memory_space<vmem>>
      %get3A_452 = arith.index_cast %mul3A_448 : i32 to index
      %get3A_453 = tpu.vector_load %get3A_451[%get3A_452] {strides = array<i32>} : memref<2048xf32, #tpu.memory_space<vmem>>, vector<16xf32>,
      %mul3A_454 = arith.constant 2.048000e+03 : f32
      %mul3A_455 = vector.broadcast %mul3A_454 : f32 to vector<16xf32>
      %mul3A_456 = arith.mulf %get3A_453, %mul3A_455 : vector<16xf32>
      %sub3A_457 = arith.subf %mul3A_456, %get3A_157 : vector<16xf32>
      %convert_element_type3A_458 = arith.fptosi %sub3A_457 : vector<16xf32> to vector<16xi32>
      %sub3A_459 = arith.constant 1 : i32
      %sub3A_460 = vector.broadcast %sub3A_459 : i32 to vector<16xi32>
      %sub3A_461 = arith.subi %convert_element_type3A_458, %sub3A_460 : vector<16xi32>
      %add3A_462 = arith.constant 0 : i32
      %add3A_463 = vector.broadcast %add3A_462 : i32 to vector<16xi32>
      %add3A_464 = arith.addi %sub3A_461, %add3A_463 : vector<16xi32>
      %convert_element_type3A_465 = arith.sitofp %add3A_464 : vector<16xi32> to vector<16xf32>
      %add3A_466 = arith.addf %convert_element_type3A_465, %get3A_157 : vector<16xf32>
      %gt3A_467 = arith.cmpf ogt, %add3A_466, %mul3A_456 : vector<16xf32>
      %jit3A_468 = arith.constant 0 : i32
      %jit3A_469 = arith.constant 1 : i32
      %broadcast_in_dim3A_470 = vector.broadcast %jit3A_468 : i32 to vector<16xi32>
      %broadcast_in_dim3A_471 = vector.broadcast %jit3A_469 : i32 to vector<16xi32>
      %select_n3A_472 = arith.select %gt3A_467, %broadcast_in_dim3A_470, %broadcast_in_dim3A_471 : vector<16xi1>, vector<16xi32>
      %add3A_473 = arith.addi %broadcast_in_dim3A_5, %select_n3A_472 : vector<16xi32>
      %add3A_474 = arith.constant 1 : i32
      %add3A_475 = vector.broadcast %add3A_474 : i32 to vector<16xi32>
      %add3A_476 = arith.addi %sub3A_461, %add3A_475 : vector<16xi32>
      %convert_element_type3A_477 = arith.sitofp %add3A_476 : vector<16xi32> to vector<16xf32>
      %add3A_478 = arith.addf %convert_element_type3A_477, %get3A_157 : vector<16xf32>
      %gt3A_479 = arith.cmpf ogt, %add3A_478, %mul3A_456 : vector<16xf32>
      %jit3A_480 = arith.constant 0 : i32
      %jit3A_481 = arith.constant 1 : i32
      %broadcast_in_dim3A_482 = vector.broadcast %jit3A_480 : i32 to vector<16xi32>
      %broadcast_in_dim3A_483 = vector.broadcast %jit3A_481 : i32 to vector<16xi32>
      %select_n3A_484 = arith.select %gt3A_479, %broadcast_in_dim3A_482, %broadcast_in_dim3A_483 : vector<16xi1>, vector<16xi32>
      %add3A_485 = arith.addi %add3A_473, %select_n3A_484 : vector<16xi32>
      %add3A_486 = arith.constant 2 : i32
      %add3A_487 = vector.broadcast %add3A_486 : i32 to vector<16xi32>
      %add3A_488 = arith.addi %sub3A_461, %add3A_487 : vector<16xi32>
      %convert_element_type3A_489 = arith.sitofp %add3A_488 : vector<16xi32> to vector<16xf32>
      %add3A_490 = arith.addf %convert_element_type3A_489, %get3A_157 : vector<16xf32>
      %gt3A_491 = arith.cmpf ogt, %add3A_490, %mul3A_456 : vector<16xf32>
      %jit3A_492 = arith.constant 0 : i32
      %jit3A_493 = arith.constant 1 : i32
      %broadcast_in_dim3A_494 = vector.broadcast %jit3A_492 : i32 to vector<16xi32>
      %broadcast_in_dim3A_495 = vector.broadcast %jit3A_493 : i32 to vector<16xi32>
      %select_n3A_496 = arith.select %gt3A_491, %broadcast_in_dim3A_494, %broadcast_in_dim3A_495 : vector<16xi1>, vector<16xi32>
      %add3A_497 = arith.addi %add3A_485, %select_n3A_496 : vector<16xi32>
      %add3A_498 = arith.constant 3 : i32
      %add3A_499 = vector.broadcast %add3A_498 : i32 to vector<16xi32>
      %add3A_500 = arith.addi %sub3A_461, %add3A_499 : vector<16xi32>
      %convert_element_type3A_501 = arith.sitofp %add3A_500 : vector<16xi32> to vector<16xf32>
      %add3A_502 = arith.addf %convert_element_type3A_501, %get3A_157 : vector<16xf32>
      %gt3A_503 = arith.cmpf ogt, %add3A_502, %mul3A_456 : vector<16xf32>
      %jit3A_504 = arith.constant 0 : i32
      %jit3A_505 = arith.constant 1 : i32
      %broadcast_in_dim3A_506 = vector.broadcast %jit3A_504 : i32 to vector<16xi32>
      %broadcast_in_dim3A_507 = vector.broadcast %jit3A_505 : i32 to vector<16xi32>
      %select_n3A_508 = arith.select %gt3A_503, %broadcast_in_dim3A_506, %broadcast_in_dim3A_507 : vector<16xi1>, vector<16xi32>
      %add3A_509 = arith.addi %add3A_497, %select_n3A_508 : vector<16xi32>
      %add3A_510 = arith.addi %sub3A_461, %add3A_509 : vector<16xi32>
      %max3A_511 = arith.constant 0 : i32
      %max3A_512 = vector.broadcast %max3A_511 : i32 to vector<16xi32>
      %max3A_513 = arith.maxsi %add3A_510, %max3A_512 : vector<16xi32>
      %min3A_514 = arith.constant 2048 : i32
      %min3A_515 = vector.broadcast %min3A_514 : i32 to vector<16xi32>
      %min3A_516 = arith.minsi %max3A_513, %min3A_515 : vector<16xi32>
      tpu.vector_store_idx %arg10[%min3A_516], %broadcast_in_dim3A_3 {add = true} : memref<2064xi32, #tpu.memory_space<vmem>>[vector<16xi32>], vector<16xi32>,
      %scan3A_517 = arith.constant 3 : i32
      %scan3A_518 = arith.addi %scan3A_309, %scan3A_517 : i32
      %mul3A_519 = arith.constant 16 : i32
      %mul3A_520 = arith.muli %scan3A_518, %mul3A_519 : i32
      %get3A_521 = arith.constant 0 : i32
      %get3A_522 = tpu.memref_slice %arg6[%scan3A_159, %get3A_521] : memref<2x2048xf32, #tpu.memory_space<vmem>> -> memref<1x2048xf32, #tpu.memory_space<vmem>>
      %get3A_523 = tpu.memref_squeeze %get3A_522 : memref<1x2048xf32, #tpu.memory_space<vmem>> -> memref<2048xf32, #tpu.memory_space<vmem>>
      %get3A_524 = arith.index_cast %mul3A_520 : i32 to index
      %get3A_525 = tpu.vector_load %get3A_523[%get3A_524] {strides = array<i32>} : memref<2048xf32, #tpu.memory_space<vmem>>, vector<16xf32>,
      %mul3A_526 = arith.constant 2.048000e+03 : f32
      %mul3A_527 = vector.broadcast %mul3A_526 : f32 to vector<16xf32>
      %mul3A_528 = arith.mulf %get3A_525, %mul3A_527 : vector<16xf32>
      %sub3A_529 = arith.subf %mul3A_528, %get3A_157 : vector<16xf32>
      %convert_element_type3A_530 = arith.fptosi %sub3A_529 : vector<16xf32> to vector<16xi32>
      %sub3A_531 = arith.constant 1 : i32
      %sub3A_532 = vector.broadcast %sub3A_531 : i32 to vector<16xi32>
      %sub3A_533 = arith.subi %convert_element_type3A_530, %sub3A_532 : vector<16xi32>
      %add3A_534 = arith.constant 0 : i32
      %add3A_535 = vector.broadcast %add3A_534 : i32 to vector<16xi32>
      %add3A_536 = arith.addi %sub3A_533, %add3A_535 : vector<16xi32>
      %convert_element_type3A_537 = arith.sitofp %add3A_536 : vector<16xi32> to vector<16xf32>
      %add3A_538 = arith.addf %convert_element_type3A_537, %get3A_157 : vector<16xf32>
      %gt3A_539 = arith.cmpf ogt, %add3A_538, %mul3A_528 : vector<16xf32>
      %jit3A_540 = arith.constant 0 : i32
      %jit3A_541 = arith.constant 1 : i32
      %broadcast_in_dim3A_542 = vector.broadcast %jit3A_540 : i32 to vector<16xi32>
      %broadcast_in_dim3A_543 = vector.broadcast %jit3A_541 : i32 to vector<16xi32>
      %select_n3A_544 = arith.select %gt3A_539, %broadcast_in_dim3A_542, %broadcast_in_dim3A_543 : vector<16xi1>, vector<16xi32>
      %add3A_545 = arith.addi %broadcast_in_dim3A_5, %select_n3A_544 : vector<16xi32>
      %add3A_546 = arith.constant 1 : i32
      %add3A_547 = vector.broadcast %add3A_546 : i32 to vector<16xi32>
      %add3A_548 = arith.addi %sub3A_533, %add3A_547 : vector<16xi32>
      %convert_element_type3A_549 = arith.sitofp %add3A_548 : vector<16xi32> to vector<16xf32>
      %add3A_550 = arith.addf %convert_element_type3A_549, %get3A_157 : vector<16xf32>
      %gt3A_551 = arith.cmpf ogt, %add3A_550, %mul3A_528 : vector<16xf32>
      %jit3A_552 = arith.constant 0 : i32
      %jit3A_553 = arith.constant 1 : i32
      %broadcast_in_dim3A_554 = vector.broadcast %jit3A_552 : i32 to vector<16xi32>
      %broadcast_in_dim3A_555 = vector.broadcast %jit3A_553 : i32 to vector<16xi32>
      %select_n3A_556 = arith.select %gt3A_551, %broadcast_in_dim3A_554, %broadcast_in_dim3A_555 : vector<16xi1>, vector<16xi32>
      %add3A_557 = arith.addi %add3A_545, %select_n3A_556 : vector<16xi32>
      %add3A_558 = arith.constant 2 : i32
      %add3A_559 = vector.broadcast %add3A_558 : i32 to vector<16xi32>
      %add3A_560 = arith.addi %sub3A_533, %add3A_559 : vector<16xi32>
      %convert_element_type3A_561 = arith.sitofp %add3A_560 : vector<16xi32> to vector<16xf32>
      %add3A_562 = arith.addf %convert_element_type3A_561, %get3A_157 : vector<16xf32>
      %gt3A_563 = arith.cmpf ogt, %add3A_562, %mul3A_528 : vector<16xf32>
      %jit3A_564 = arith.constant 0 : i32
      %jit3A_565 = arith.constant 1 : i32
      %broadcast_in_dim3A_566 = vector.broadcast %jit3A_564 : i32 to vector<16xi32>
      %broadcast_in_dim3A_567 = vector.broadcast %jit3A_565 : i32 to vector<16xi32>
      %select_n3A_568 = arith.select %gt3A_563, %broadcast_in_dim3A_566, %broadcast_in_dim3A_567 : vector<16xi1>, vector<16xi32>
      %add3A_569 = arith.addi %add3A_557, %select_n3A_568 : vector<16xi32>
      %add3A_570 = arith.constant 3 : i32
      %add3A_571 = vector.broadcast %add3A_570 : i32 to vector<16xi32>
      %add3A_572 = arith.addi %sub3A_533, %add3A_571 : vector<16xi32>
      %convert_element_type3A_573 = arith.sitofp %add3A_572 : vector<16xi32> to vector<16xf32>
      %add3A_574 = arith.addf %convert_element_type3A_573, %get3A_157 : vector<16xf32>
      %gt3A_575 = arith.cmpf ogt, %add3A_574, %mul3A_528 : vector<16xf32>
      %jit3A_576 = arith.constant 0 : i32
      %jit3A_577 = arith.constant 1 : i32
      %broadcast_in_dim3A_578 = vector.broadcast %jit3A_576 : i32 to vector<16xi32>
      %broadcast_in_dim3A_579 = vector.broadcast %jit3A_577 : i32 to vector<16xi32>
      %select_n3A_580 = arith.select %gt3A_575, %broadcast_in_dim3A_578, %broadcast_in_dim3A_579 : vector<16xi1>, vector<16xi32>
      %add3A_581 = arith.addi %add3A_569, %select_n3A_580 : vector<16xi32>
      %add3A_582 = arith.addi %sub3A_533, %add3A_581 : vector<16xi32>
      %max3A_583 = arith.constant 0 : i32
      %max3A_584 = vector.broadcast %max3A_583 : i32 to vector<16xi32>
      %max3A_585 = arith.maxsi %add3A_582, %max3A_584 : vector<16xi32>
      %min3A_586 = arith.constant 2048 : i32
      %min3A_587 = vector.broadcast %min3A_586 : i32 to vector<16xi32>
      %min3A_588 = arith.minsi %max3A_585, %min3A_587 : vector<16xi32>
      tpu.vector_store_idx %arg10[%min3A_588], %broadcast_in_dim3A_3 {add = true} : memref<2064xi32, #tpu.memory_space<vmem>>[vector<16xi32>], vector<16xi32>,
    }
    %scan3A_164 = arith.constant 128 : i32
    %scan3A_165 = arith.constant 0 : i32
    %scan3A_166 = arith.constant 0 : i32
    %scan3A_167 = arith.constant 0 : i32
    %scan3A_168 = arith.constant 0 : i32
    %scan3A_169 = arith.constant 128 : i32
    %scan3A_170 = arith.addi %scan3A_168, %scan3A_169 : i32
    %scan3A_171 = arith.constant 2 : i32
    %scan3A_172 = scf.for %scan3A_309 = %scan3A_168 to %scan3A_170 step %scan3A_171 iter_args(%scan3A_310 = %scan3A_167) -> (i32)  : i32 {
      %mul3A_311 = arith.constant 16 : i32
      %mul3A_312 = arith.muli %scan3A_309, %mul3A_311 : i32
      %get3A_313 = arith.index_cast %mul3A_312 : i32 to index
      %get3A_314 = tpu.vector_load %arg10[%get3A_313] {strides = array<i32>} : memref<2064xi32, #tpu.memory_space<vmem>>, vector<16xi32>,
      %mul3A_315 = arith.constant 16 : i32
      %mul3A_316 = arith.muli %scan3A_309, %mul3A_315 : i32
      %swap3A_317 = arith.index_cast %mul3A_316 : i32 to index
      %swap3A_318 = tpu.vector_load %arg10[%swap3A_317] {strides = array<i32>} : memref<2064xi32, #tpu.memory_space<vmem>>, vector<16xi32>,
      tpu.vector_store %arg10[%swap3A_317], %broadcast_in_dim3A_5 {strides = array<i32>} : memref<2064xi32, #tpu.memory_space<vmem>>, vector<16xi32>,
      %broadcast_in_dim3A_319 = arith.constant true
      %broadcast_in_dim3A_320 = vector.broadcast %broadcast_in_dim3A_319 : i1 to vector<16xi1>
      %masked_cumsum3A = tpu.scan <sum>, %get3A_314 masked %broadcast_in_dim3A_320 : vector<16xi32>, vector<16xi1> -> vector<16xi32>
      %add3A_321 = vector.broadcast %scan3A_310 : i32 to vector<16xi32>
      %add3A_322 = arith.addi %masked_cumsum3A, %add3A_321 : vector<16xi32>
      %broadcast_in_dim3A_323 = arith.constant 0 : i32
      %broadcast_in_dim3A_324 = vector.broadcast %broadcast_in_dim3A_323 : i32 to vector<16xi32>
      %gather3A = arith.constant 0 : i32
      %gather3A_325 = arith.constant 0 : i32
      %gather3A_326 = tpu.memref_slice %arg7[%scan3A_165, %gather3A, %gather3A_325] : memref<2x8x2048xf32, #tpu.memory_space<vmem>> -> memref<1x8x2048xf32, #tpu.memory_space<vmem>>
      %gather3A_327 = tpu.memref_squeeze %gather3A_326 : memref<1x8x2048xf32, #tpu.memory_space<vmem>> -> memref<8x2048xf32, #tpu.memory_space<vmem>>
      %gather3A_328 = tpu.vector_load_idx %gather3A_327[%broadcast_in_dim3A_324, %add3A_322] : memref<8x2048xf32, #tpu.memory_space<vmem>>[vector<16xi32>, vector<16xi32>], vector<16xf32>,
      %mul3A_329 = arith.constant 16 : i32
      %mul3A_330 = arith.muli %scan3A_309, %mul3A_329 : i32
      %swap3A_331 = arith.constant 0 : i32
      %swap3A_332 = arith.constant 0 : i32
      %swap3A_333 = arith.constant 0 : i32
      %swap3A_334 = tpu.memref_slice %arg8[%scan3A_166, %swap3A_332, %swap3A_333] : memref<2x8x2048xf32, #tpu.memory_space<vmem>> -> memref<1x8x2048xf32, #tpu.memory_space<vmem>>
      %swap3A_335 = tpu.memref_squeeze %swap3A_334 : memref<1x8x2048xf32, #tpu.memory_space<vmem>> -> memref<8x2048xf32, #tpu.memory_space<vmem>>
      %swap3A_336 = arith.index_cast %swap3A_331 : i32 to index
      %swap3A_337 = arith.index_cast %mul3A_330 : i32 to index
      %swap3A_338 = tpu.vector_load %swap3A_335[%swap3A_336, %swap3A_337] {strides = array<i32>} : memref<8x2048xf32, #tpu.memory_space<vmem>>, vector<16xf32>,
      tpu.vector_store %swap3A_335[%swap3A_336, %swap3A_337], %gather3A_328 {strides = array<i32>} : memref<8x2048xf32, #tpu.memory_space<vmem>>, vector<16xf32>,
      %broadcast_in_dim3A_339 = arith.constant 1 : i32
      %broadcast_in_dim3A_340 = vector.broadcast %broadcast_in_dim3A_339 : i32 to vector<16xi32>
      %gather3A_341 = arith.constant 0 : i32
      %gather3A_342 = arith.constant 0 : i32
      %gather3A_343 = tpu.memref_slice %arg7[%scan3A_165, %gather3A_341, %gather3A_342] : memref<2x8x2048xf32, #tpu.memory_space<vmem>> -> memref<1x8x2048xf32, #tpu.memory_space<vmem>>
      %gather3A_344 = tpu.memref_squeeze %gather3A_343 : memref<1x8x2048xf32, #tpu.memory_space<vmem>> -> memref<8x2048xf32, #tpu.memory_space<vmem>>
      %gather3A_345 = tpu.vector_load_idx %gather3A_344[%broadcast_in_dim3A_340, %add3A_322] : memref<8x2048xf32, #tpu.memory_space<vmem>>[vector<16xi32>, vector<16xi32>], vector<16xf32>,
      %mul3A_346 = arith.constant 16 : i32
      %mul3A_347 = arith.muli %scan3A_309, %mul3A_346 : i32
      %swap3A_348 = arith.constant 1 : i32
      %swap3A_349 = arith.constant 0 : i32
      %swap3A_350 = arith.constant 0 : i32
      %swap3A_351 = tpu.memref_slice %arg8[%scan3A_166, %swap3A_349, %swap3A_350] : memref<2x8x2048xf32, #tpu.memory_space<vmem>> -> memref<1x8x2048xf32, #tpu.memory_space<vmem>>
      %swap3A_352 = tpu.memref_squeeze %swap3A_351 : memref<1x8x2048xf32, #tpu.memory_space<vmem>> -> memref<8x2048xf32, #tpu.memory_space<vmem>>
      %swap3A_353 = arith.index_cast %swap3A_348 : i32 to index
      %swap3A_354 = arith.index_cast %mul3A_347 : i32 to index
      %swap3A_355 = tpu.vector_load %swap3A_352[%swap3A_353, %swap3A_354] {strides = array<i32>} : memref<8x2048xf32, #tpu.memory_space<vmem>>, vector<16xf32>,
      tpu.vector_store %swap3A_352[%swap3A_353, %swap3A_354], %gather3A_345 {strides = array<i32>} : memref<8x2048xf32, #tpu.memory_space<vmem>>, vector<16xf32>,
      %broadcast_in_dim3A_356 = arith.constant 2 : i32
      %broadcast_in_dim3A_357 = vector.broadcast %broadcast_in_dim3A_356 : i32 to vector<16xi32>
      %gather3A_358 = arith.constant 0 : i32
      %gather3A_359 = arith.constant 0 : i32
      %gather3A_360 = tpu.memref_slice %arg7[%scan3A_165, %gather3A_358, %gather3A_359] : memref<2x8x2048xf32, #tpu.memory_space<vmem>> -> memref<1x8x2048xf32, #tpu.memory_space<vmem>>
      %gather3A_361 = tpu.memref_squeeze %gather3A_360 : memref<1x8x2048xf32, #tpu.memory_space<vmem>> -> memref<8x2048xf32, #tpu.memory_space<vmem>>
      %gather3A_362 = tpu.vector_load_idx %gather3A_361[%broadcast_in_dim3A_357, %add3A_322] : memref<8x2048xf32, #tpu.memory_space<vmem>>[vector<16xi32>, vector<16xi32>], vector<16xf32>,
      %mul3A_363 = arith.constant 16 : i32
      %mul3A_364 = arith.muli %scan3A_309, %mul3A_363 : i32
      %swap3A_365 = arith.constant 2 : i32
      %swap3A_366 = arith.constant 0 : i32
      %swap3A_367 = arith.constant 0 : i32
      %swap3A_368 = tpu.memref_slice %arg8[%scan3A_166, %swap3A_366, %swap3A_367] : memref<2x8x2048xf32, #tpu.memory_space<vmem>> -> memref<1x8x2048xf32, #tpu.memory_space<vmem>>
      %swap3A_369 = tpu.memref_squeeze %swap3A_368 : memref<1x8x2048xf32, #tpu.memory_space<vmem>> -> memref<8x2048xf32, #tpu.memory_space<vmem>>
      %swap3A_370 = arith.index_cast %swap3A_365 : i32 to index
      %swap3A_371 = arith.index_cast %mul3A_364 : i32 to index
      %swap3A_372 = tpu.vector_load %swap3A_369[%swap3A_370, %swap3A_371] {strides = array<i32>} : memref<8x2048xf32, #tpu.memory_space<vmem>>, vector<16xf32>,
      tpu.vector_store %swap3A_369[%swap3A_370, %swap3A_371], %gather3A_362 {strides = array<i32>} : memref<8x2048xf32, #tpu.memory_space<vmem>>, vector<16xf32>,
      %broadcast_in_dim3A_373 = arith.constant 3 : i32
      %broadcast_in_dim3A_374 = vector.broadcast %broadcast_in_dim3A_373 : i32 to vector<16xi32>
      %gather3A_375 = arith.constant 0 : i32
      %gather3A_376 = arith.constant 0 : i32
      %gather3A_377 = tpu.memref_slice %arg7[%scan3A_165, %gather3A_375, %gather3A_376] : memref<2x8x2048xf32, #tpu.memory_space<vmem>> -> memref<1x8x2048xf32, #tpu.memory_space<vmem>>
      %gather3A_378 = tpu.memref_squeeze %gather3A_377 : memref<1x8x2048xf32, #tpu.memory_space<vmem>> -> memref<8x2048xf32, #tpu.memory_space<vmem>>
      %gather3A_379 = tpu.vector_load_idx %gather3A_378[%broadcast_in_dim3A_374, %add3A_322] : memref<8x2048xf32, #tpu.memory_space<vmem>>[vector<16xi32>, vector<16xi32>], vector<16xf32>,
      %mul3A_380 = arith.constant 16 : i32
      %mul3A_381 = arith.muli %scan3A_309, %mul3A_380 : i32
      %swap3A_382 = arith.constant 3 : i32
      %swap3A_383 = arith.constant 0 : i32
      %swap3A_384 = arith.constant 0 : i32
      %swap3A_385 = tpu.memref_slice %arg8[%scan3A_166, %swap3A_383, %swap3A_384] : memref<2x8x2048xf32, #tpu.memory_space<vmem>> -> memref<1x8x2048xf32, #tpu.memory_space<vmem>>
      %swap3A_386 = tpu.memref_squeeze %swap3A_385 : memref<1x8x2048xf32, #tpu.memory_space<vmem>> -> memref<8x2048xf32, #tpu.memory_space<vmem>>
      %swap3A_387 = arith.index_cast %swap3A_382 : i32 to index
      %swap3A_388 = arith.index_cast %mul3A_381 : i32 to index
      %swap3A_389 = tpu.vector_load %swap3A_386[%swap3A_387, %swap3A_388] {strides = array<i32>} : memref<8x2048xf32, #tpu.memory_space<vmem>>, vector<16xf32>,
      tpu.vector_store %swap3A_386[%swap3A_387, %swap3A_388], %gather3A_379 {strides = array<i32>} : memref<8x2048xf32, #tpu.memory_space<vmem>>, vector<16xf32>,
      %broadcast_in_dim3A_390 = arith.constant 4 : i32
      %broadcast_in_dim3A_391 = vector.broadcast %broadcast_in_dim3A_390 : i32 to vector<16xi32>
      %gather3A_392 = arith.constant 0 : i32
      %gather3A_393 = arith.constant 0 : i32
      %gather3A_394 = tpu.memref_slice %arg7[%scan3A_165, %gather3A_392, %gather3A_393] : memref<2x8x2048xf32, #tpu.memory_space<vmem>> -> memref<1x8x2048xf32, #tpu.memory_space<vmem>>
      %gather3A_395 = tpu.memref_squeeze %gather3A_394 : memref<1x8x2048xf32, #tpu.memory_space<vmem>> -> memref<8x2048xf32, #tpu.memory_space<vmem>>
      %gather3A_396 = tpu.vector_load_idx %gather3A_395[%broadcast_in_dim3A_391, %add3A_322] : memref<8x2048xf32, #tpu.memory_space<vmem>>[vector<16xi32>, vector<16xi32>], vector<16xf32>,
      %mul3A_397 = arith.constant 16 : i32
      %mul3A_398 = arith.muli %scan3A_309, %mul3A_397 : i32
      %swap3A_399 = arith.constant 4 : i32
      %swap3A_400 = arith.constant 0 : i32
      %swap3A_401 = arith.constant 0 : i32
      %swap3A_402 = tpu.memref_slice %arg8[%scan3A_166, %swap3A_400, %swap3A_401] : memref<2x8x2048xf32, #tpu.memory_space<vmem>> -> memref<1x8x2048xf32, #tpu.memory_space<vmem>>
      %swap3A_403 = tpu.memref_squeeze %swap3A_402 : memref<1x8x2048xf32, #tpu.memory_space<vmem>> -> memref<8x2048xf32, #tpu.memory_space<vmem>>
      %swap3A_404 = arith.index_cast %swap3A_399 : i32 to index
      %swap3A_405 = arith.index_cast %mul3A_398 : i32 to index
      %swap3A_406 = tpu.vector_load %swap3A_403[%swap3A_404, %swap3A_405] {strides = array<i32>} : memref<8x2048xf32, #tpu.memory_space<vmem>>, vector<16xf32>,
      tpu.vector_store %swap3A_403[%swap3A_404, %swap3A_405], %gather3A_396 {strides = array<i32>} : memref<8x2048xf32, #tpu.memory_space<vmem>>, vector<16xf32>,
      %broadcast_in_dim3A_407 = arith.constant 5 : i32
      %broadcast_in_dim3A_408 = vector.broadcast %broadcast_in_dim3A_407 : i32 to vector<16xi32>
      %gather3A_409 = arith.constant 0 : i32
      %gather3A_410 = arith.constant 0 : i32
      %gather3A_411 = tpu.memref_slice %arg7[%scan3A_165, %gather3A_409, %gather3A_410] : memref<2x8x2048xf32, #tpu.memory_space<vmem>> -> memref<1x8x2048xf32, #tpu.memory_space<vmem>>
      %gather3A_412 = tpu.memref_squeeze %gather3A_411 : memref<1x8x2048xf32, #tpu.memory_space<vmem>> -> memref<8x2048xf32, #tpu.memory_space<vmem>>
      %gather3A_413 = tpu.vector_load_idx %gather3A_412[%broadcast_in_dim3A_408, %add3A_322] : memref<8x2048xf32, #tpu.memory_space<vmem>>[vector<16xi32>, vector<16xi32>], vector<16xf32>,
      %mul3A_414 = arith.constant 16 : i32
      %mul3A_415 = arith.muli %scan3A_309, %mul3A_414 : i32
      %swap3A_416 = arith.constant 5 : i32
      %swap3A_417 = arith.constant 0 : i32
      %swap3A_418 = arith.constant 0 : i32
      %swap3A_419 = tpu.memref_slice %arg8[%scan3A_166, %swap3A_417, %swap3A_418] : memref<2x8x2048xf32, #tpu.memory_space<vmem>> -> memref<1x8x2048xf32, #tpu.memory_space<vmem>>
      %swap3A_420 = tpu.memref_squeeze %swap3A_419 : memref<1x8x2048xf32, #tpu.memory_space<vmem>> -> memref<8x2048xf32, #tpu.memory_space<vmem>>
      %swap3A_421 = arith.index_cast %swap3A_416 : i32 to index
      %swap3A_422 = arith.index_cast %mul3A_415 : i32 to index
      %swap3A_423 = tpu.vector_load %swap3A_420[%swap3A_421, %swap3A_422] {strides = array<i32>} : memref<8x2048xf32, #tpu.memory_space<vmem>>, vector<16xf32>,
      tpu.vector_store %swap3A_420[%swap3A_421, %swap3A_422], %gather3A_413 {strides = array<i32>} : memref<8x2048xf32, #tpu.memory_space<vmem>>, vector<16xf32>,
      %broadcast_in_dim3A_424 = arith.constant 6 : i32
      %broadcast_in_dim3A_425 = vector.broadcast %broadcast_in_dim3A_424 : i32 to vector<16xi32>
      %gather3A_426 = arith.constant 0 : i32
      %gather3A_427 = arith.constant 0 : i32
      %gather3A_428 = tpu.memref_slice %arg7[%scan3A_165, %gather3A_426, %gather3A_427] : memref<2x8x2048xf32, #tpu.memory_space<vmem>> -> memref<1x8x2048xf32, #tpu.memory_space<vmem>>
      %gather3A_429 = tpu.memref_squeeze %gather3A_428 : memref<1x8x2048xf32, #tpu.memory_space<vmem>> -> memref<8x2048xf32, #tpu.memory_space<vmem>>
      %gather3A_430 = tpu.vector_load_idx %gather3A_429[%broadcast_in_dim3A_425, %add3A_322] : memref<8x2048xf32, #tpu.memory_space<vmem>>[vector<16xi32>, vector<16xi32>], vector<16xf32>,
      %mul3A_431 = arith.constant 16 : i32
      %mul3A_432 = arith.muli %scan3A_309, %mul3A_431 : i32
      %swap3A_433 = arith.constant 6 : i32
      %swap3A_434 = arith.constant 0 : i32
      %swap3A_435 = arith.constant 0 : i32
      %swap3A_436 = tpu.memref_slice %arg8[%scan3A_166, %swap3A_434, %swap3A_435] : memref<2x8x2048xf32, #tpu.memory_space<vmem>> -> memref<1x8x2048xf32, #tpu.memory_space<vmem>>
      %swap3A_437 = tpu.memref_squeeze %swap3A_436 : memref<1x8x2048xf32, #tpu.memory_space<vmem>> -> memref<8x2048xf32, #tpu.memory_space<vmem>>
      %swap3A_438 = arith.index_cast %swap3A_433 : i32 to index
      %swap3A_439 = arith.index_cast %mul3A_432 : i32 to index
      %swap3A_440 = tpu.vector_load %swap3A_437[%swap3A_438, %swap3A_439] {strides = array<i32>} : memref<8x2048xf32, #tpu.memory_space<vmem>>, vector<16xf32>,
      tpu.vector_store %swap3A_437[%swap3A_438, %swap3A_439], %gather3A_430 {strides = array<i32>} : memref<8x2048xf32, #tpu.memory_space<vmem>>, vector<16xf32>,
      %broadcast_in_dim3A_441 = arith.constant 7 : i32
      %broadcast_in_dim3A_442 = vector.broadcast %broadcast_in_dim3A_441 : i32 to vector<16xi32>
      %gather3A_443 = arith.constant 0 : i32
      %gather3A_444 = arith.constant 0 : i32
      %gather3A_445 = tpu.memref_slice %arg7[%scan3A_165, %gather3A_443, %gather3A_444] : memref<2x8x2048xf32, #tpu.memory_space<vmem>> -> memref<1x8x2048xf32, #tpu.memory_space<vmem>>
      %gather3A_446 = tpu.memref_squeeze %gather3A_445 : memref<1x8x2048xf32, #tpu.memory_space<vmem>> -> memref<8x2048xf32, #tpu.memory_space<vmem>>
      %gather3A_447 = tpu.vector_load_idx %gather3A_446[%broadcast_in_dim3A_442, %add3A_322] : memref<8x2048xf32, #tpu.memory_space<vmem>>[vector<16xi32>, vector<16xi32>], vector<16xf32>,
      %mul3A_448 = arith.constant 16 : i32
      %mul3A_449 = arith.muli %scan3A_309, %mul3A_448 : i32
      %swap3A_450 = arith.constant 7 : i32
      %swap3A_451 = arith.constant 0 : i32
      %swap3A_452 = arith.constant 0 : i32
      %swap3A_453 = tpu.memref_slice %arg8[%scan3A_166, %swap3A_451, %swap3A_452] : memref<2x8x2048xf32, #tpu.memory_space<vmem>> -> memref<1x8x2048xf32, #tpu.memory_space<vmem>>
      %swap3A_454 = tpu.memref_squeeze %swap3A_453 : memref<1x8x2048xf32, #tpu.memory_space<vmem>> -> memref<8x2048xf32, #tpu.memory_space<vmem>>
      %swap3A_455 = arith.index_cast %swap3A_450 : i32 to index
      %swap3A_456 = arith.index_cast %mul3A_449 : i32 to index
      %swap3A_457 = tpu.vector_load %swap3A_454[%swap3A_455, %swap3A_456] {strides = array<i32>} : memref<8x2048xf32, #tpu.memory_space<vmem>>, vector<16xf32>,
      tpu.vector_store %swap3A_454[%swap3A_455, %swap3A_456], %gather3A_447 {strides = array<i32>} : memref<8x2048xf32, #tpu.memory_space<vmem>>, vector<16xf32>,
      %reduce_max3A = arith.constant true
      %reduce_max3A_458 = vector.broadcast %reduce_max3A : i1 to vector<16xi1>
      %reduce_max3A_459 = arith.constant -2147483648 : i32
      %reduce_max3A_460 = vector.broadcast %reduce_max3A_459 : i32 to vector<16xi32>
      %reduce_max3A_461 = arith.xori %add3A_322, %reduce_max3A_460 : vector<16xi32>
      %reduce_max3A_462 = tpu.scan <max>, %reduce_max3A_461 masked %reduce_max3A_458 : vector<16xi32>, vector<16xi1> -> vector<16xi32>
      %reduce_max3A_463 = arith.xori %reduce_max3A_462, %reduce_max3A_460 : vector<16xi32>
      %reduce_max3A_464 = vector.extract %reduce_max3A_463[15] : i32 from vector<16xi32>
      %scan3A_465 = arith.constant 1 : i32
      %scan3A_466 = arith.addi %scan3A_309, %scan3A_465 : i32
      %mul3A_467 = arith.constant 16 : i32
      %mul3A_468 = arith.muli %scan3A_466, %mul3A_467 : i32
      %get3A_469 = arith.index_cast %mul3A_468 : i32 to index
      %get3A_470 = tpu.vector_load %arg10[%get3A_469] {strides = array<i32>} : memref<2064xi32, #tpu.memory_space<vmem>>, vector<16xi32>,
      %mul3A_471 = arith.constant 16 : i32
      %mul3A_472 = arith.muli %scan3A_466, %mul3A_471 : i32
      %swap3A_473 = arith.index_cast %mul3A_472 : i32 to index
      %swap3A_474 = tpu.vector_load %arg10[%swap3A_473] {strides = array<i32>} : memref<2064xi32, #tpu.memory_space<vmem>>, vector<16xi32>,
      tpu.vector_store %arg10[%swap3A_473], %broadcast_in_dim3A_5 {strides = array<i32>} : memref<2064xi32, #tpu.memory_space<vmem>>, vector<16xi32>,
      %broadcast_in_dim3A_475 = arith.constant true
      %broadcast_in_dim3A_476 = vector.broadcast %broadcast_in_dim3A_475 : i1 to vector<16xi1>
      %masked_cumsum3A_477 = tpu.scan <sum>, %get3A_470 masked %broadcast_in_dim3A_476 : vector<16xi32>, vector<16xi1> -> vector<16xi32>
      %add3A_478 = vector.broadcast %reduce_max3A_464 : i32 to vector<16xi32>
      %add3A_479 = arith.addi %masked_cumsum3A_477, %add3A_478 : vector<16xi32>
      %broadcast_in_dim3A_480 = arith.constant 0 : i32
      %broadcast_in_dim3A_481 = vector.broadcast %broadcast_in_dim3A_480 : i32 to vector<16xi32>
      %gather3A_482 = arith.constant 0 : i32
      %gather3A_483 = arith.constant 0 : i32
      %gather3A_484 = tpu.memref_slice %arg7[%scan3A_165, %gather3A_482, %gather3A_483] : memref<2x8x2048xf32, #tpu.memory_space<vmem>> -> memref<1x8x2048xf32, #tpu.memory_space<vmem>>
      %gather3A_485 = tpu.memref_squeeze %gather3A_484 : memref<1x8x2048xf32, #tpu.memory_space<vmem>> -> memref<8x2048xf32, #tpu.memory_space<vmem>>
      %gather3A_486 = tpu.vector_load_idx %gather3A_485[%broadcast_in_dim3A_481, %add3A_479] : memref<8x2048xf32, #tpu.memory_space<vmem>>[vector<16xi32>, vector<16xi32>], vector<16xf32>,
      %mul3A_487 = arith.constant 16 : i32
      %mul3A_488 = arith.muli %scan3A_466, %mul3A_487 : i32
      %swap3A_489 = arith.constant 0 : i32
      %swap3A_490 = arith.constant 0 : i32
      %swap3A_491 = arith.constant 0 : i32
      %swap3A_492 = tpu.memref_slice %arg8[%scan3A_166, %swap3A_490, %swap3A_491] : memref<2x8x2048xf32, #tpu.memory_space<vmem>> -> memref<1x8x2048xf32, #tpu.memory_space<vmem>>
      %swap3A_493 = tpu.memref_squeeze %swap3A_492 : memref<1x8x2048xf32, #tpu.memory_space<vmem>> -> memref<8x2048xf32, #tpu.memory_space<vmem>>
      %swap3A_494 = arith.index_cast %swap3A_489 : i32 to index
      %swap3A_495 = arith.index_cast %mul3A_488 : i32 to index
      %swap3A_496 = tpu.vector_load %swap3A_493[%swap3A_494, %swap3A_495] {strides = array<i32>} : memref<8x2048xf32, #tpu.memory_space<vmem>>, vector<16xf32>,
      tpu.vector_store %swap3A_493[%swap3A_494, %swap3A_495], %gather3A_486 {strides = array<i32>} : memref<8x2048xf32, #tpu.memory_space<vmem>>, vector<16xf32>,
      %broadcast_in_dim3A_497 = arith.constant 1 : i32
      %broadcast_in_dim3A_498 = vector.broadcast %broadcast_in_dim3A_497 : i32 to vector<16xi32>
      %gather3A_499 = arith.constant 0 : i32
      %gather3A_500 = arith.constant 0 : i32
      %gather3A_501 = tpu.memref_slice %arg7[%scan3A_165, %gather3A_499, %gather3A_500] : memref<2x8x2048xf32, #tpu.memory_space<vmem>> -> memref<1x8x2048xf32, #tpu.memory_space<vmem>>
      %gather3A_502 = tpu.memref_squeeze %gather3A_501 : memref<1x8x2048xf32, #tpu.memory_space<vmem>> -> memref<8x2048xf32, #tpu.memory_space<vmem>>
      %gather3A_503 = tpu.vector_load_idx %gather3A_502[%broadcast_in_dim3A_498, %add3A_479] : memref<8x2048xf32, #tpu.memory_space<vmem>>[vector<16xi32>, vector<16xi32>], vector<16xf32>,
      %mul3A_504 = arith.constant 16 : i32
      %mul3A_505 = arith.muli %scan3A_466, %mul3A_504 : i32
      %swap3A_506 = arith.constant 1 : i32
      %swap3A_507 = arith.constant 0 : i32
      %swap3A_508 = arith.constant 0 : i32
      %swap3A_509 = tpu.memref_slice %arg8[%scan3A_166, %swap3A_507, %swap3A_508] : memref<2x8x2048xf32, #tpu.memory_space<vmem>> -> memref<1x8x2048xf32, #tpu.memory_space<vmem>>
      %swap3A_510 = tpu.memref_squeeze %swap3A_509 : memref<1x8x2048xf32, #tpu.memory_space<vmem>> -> memref<8x2048xf32, #tpu.memory_space<vmem>>
      %swap3A_511 = arith.index_cast %swap3A_506 : i32 to index
      %swap3A_512 = arith.index_cast %mul3A_505 : i32 to index
      %swap3A_513 = tpu.vector_load %swap3A_510[%swap3A_511, %swap3A_512] {strides = array<i32>} : memref<8x2048xf32, #tpu.memory_space<vmem>>, vector<16xf32>,
      tpu.vector_store %swap3A_510[%swap3A_511, %swap3A_512], %gather3A_503 {strides = array<i32>} : memref<8x2048xf32, #tpu.memory_space<vmem>>, vector<16xf32>,
      %broadcast_in_dim3A_514 = arith.constant 2 : i32
      %broadcast_in_dim3A_515 = vector.broadcast %broadcast_in_dim3A_514 : i32 to vector<16xi32>
      %gather3A_516 = arith.constant 0 : i32
      %gather3A_517 = arith.constant 0 : i32
      %gather3A_518 = tpu.memref_slice %arg7[%scan3A_165, %gather3A_516, %gather3A_517] : memref<2x8x2048xf32, #tpu.memory_space<vmem>> -> memref<1x8x2048xf32, #tpu.memory_space<vmem>>
      %gather3A_519 = tpu.memref_squeeze %gather3A_518 : memref<1x8x2048xf32, #tpu.memory_space<vmem>> -> memref<8x2048xf32, #tpu.memory_space<vmem>>
      %gather3A_520 = tpu.vector_load_idx %gather3A_519[%broadcast_in_dim3A_515, %add3A_479] : memref<8x2048xf32, #tpu.memory_space<vmem>>[vector<16xi32>, vector<16xi32>], vector<16xf32>,
      %mul3A_521 = arith.constant 16 : i32
      %mul3A_522 = arith.muli %scan3A_466, %mul3A_521 : i32
      %swap3A_523 = arith.constant 2 : i32
      %swap3A_524 = arith.constant 0 : i32
      %swap3A_525 = arith.constant 0 : i32
      %swap3A_526 = tpu.memref_slice %arg8[%scan3A_166, %swap3A_524, %swap3A_525] : memref<2x8x2048xf32, #tpu.memory_space<vmem>> -> memref<1x8x2048xf32, #tpu.memory_space<vmem>>
      %swap3A_527 = tpu.memref_squeeze %swap3A_526 : memref<1x8x2048xf32, #tpu.memory_space<vmem>> -> memref<8x2048xf32, #tpu.memory_space<vmem>>
      %swap3A_528 = arith.index_cast %swap3A_523 : i32 to index
      %swap3A_529 = arith.index_cast %mul3A_522 : i32 to index
      %swap3A_530 = tpu.vector_load %swap3A_527[%swap3A_528, %swap3A_529] {strides = array<i32>} : memref<8x2048xf32, #tpu.memory_space<vmem>>, vector<16xf32>,
      tpu.vector_store %swap3A_527[%swap3A_528, %swap3A_529], %gather3A_520 {strides = array<i32>} : memref<8x2048xf32, #tpu.memory_space<vmem>>, vector<16xf32>,
      %broadcast_in_dim3A_531 = arith.constant 3 : i32
      %broadcast_in_dim3A_532 = vector.broadcast %broadcast_in_dim3A_531 : i32 to vector<16xi32>
      %gather3A_533 = arith.constant 0 : i32
      %gather3A_534 = arith.constant 0 : i32
      %gather3A_535 = tpu.memref_slice %arg7[%scan3A_165, %gather3A_533, %gather3A_534] : memref<2x8x2048xf32, #tpu.memory_space<vmem>> -> memref<1x8x2048xf32, #tpu.memory_space<vmem>>
      %gather3A_536 = tpu.memref_squeeze %gather3A_535 : memref<1x8x2048xf32, #tpu.memory_space<vmem>> -> memref<8x2048xf32, #tpu.memory_space<vmem>>
      %gather3A_537 = tpu.vector_load_idx %gather3A_536[%broadcast_in_dim3A_532, %add3A_479] : memref<8x2048xf32, #tpu.memory_space<vmem>>[vector<16xi32>, vector<16xi32>], vector<16xf32>,
      %mul3A_538 = arith.constant 16 : i32
      %mul3A_539 = arith.muli %scan3A_466, %mul3A_538 : i32
      %swap3A_540 = arith.constant 3 : i32
      %swap3A_541 = arith.constant 0 : i32
      %swap3A_542 = arith.constant 0 : i32
      %swap3A_543 = tpu.memref_slice %arg8[%scan3A_166, %swap3A_541, %swap3A_542] : memref<2x8x2048xf32, #tpu.memory_space<vmem>> -> memref<1x8x2048xf32, #tpu.memory_space<vmem>>
      %swap3A_544 = tpu.memref_squeeze %swap3A_543 : memref<1x8x2048xf32, #tpu.memory_space<vmem>> -> memref<8x2048xf32, #tpu.memory_space<vmem>>
      %swap3A_545 = arith.index_cast %swap3A_540 : i32 to index
      %swap3A_546 = arith.index_cast %mul3A_539 : i32 to index
      %swap3A_547 = tpu.vector_load %swap3A_544[%swap3A_545, %swap3A_546] {strides = array<i32>} : memref<8x2048xf32, #tpu.memory_space<vmem>>, vector<16xf32>,
      tpu.vector_store %swap3A_544[%swap3A_545, %swap3A_546], %gather3A_537 {strides = array<i32>} : memref<8x2048xf32, #tpu.memory_space<vmem>>, vector<16xf32>,
      %broadcast_in_dim3A_548 = arith.constant 4 : i32
      %broadcast_in_dim3A_549 = vector.broadcast %broadcast_in_dim3A_548 : i32 to vector<16xi32>
      %gather3A_550 = arith.constant 0 : i32
      %gather3A_551 = arith.constant 0 : i32
      %gather3A_552 = tpu.memref_slice %arg7[%scan3A_165, %gather3A_550, %gather3A_551] : memref<2x8x2048xf32, #tpu.memory_space<vmem>> -> memref<1x8x2048xf32, #tpu.memory_space<vmem>>
      %gather3A_553 = tpu.memref_squeeze %gather3A_552 : memref<1x8x2048xf32, #tpu.memory_space<vmem>> -> memref<8x2048xf32, #tpu.memory_space<vmem>>
      %gather3A_554 = tpu.vector_load_idx %gather3A_553[%broadcast_in_dim3A_549, %add3A_479] : memref<8x2048xf32, #tpu.memory_space<vmem>>[vector<16xi32>, vector<16xi32>], vector<16xf32>,
      %mul3A_555 = arith.constant 16 : i32
      %mul3A_556 = arith.muli %scan3A_466, %mul3A_555 : i32
      %swap3A_557 = arith.constant 4 : i32
      %swap3A_558 = arith.constant 0 : i32
      %swap3A_559 = arith.constant 0 : i32
      %swap3A_560 = tpu.memref_slice %arg8[%scan3A_166, %swap3A_558, %swap3A_559] : memref<2x8x2048xf32, #tpu.memory_space<vmem>> -> memref<1x8x2048xf32, #tpu.memory_space<vmem>>
      %swap3A_561 = tpu.memref_squeeze %swap3A_560 : memref<1x8x2048xf32, #tpu.memory_space<vmem>> -> memref<8x2048xf32, #tpu.memory_space<vmem>>
      %swap3A_562 = arith.index_cast %swap3A_557 : i32 to index
      %swap3A_563 = arith.index_cast %mul3A_556 : i32 to index
      %swap3A_564 = tpu.vector_load %swap3A_561[%swap3A_562, %swap3A_563] {strides = array<i32>} : memref<8x2048xf32, #tpu.memory_space<vmem>>, vector<16xf32>,
      tpu.vector_store %swap3A_561[%swap3A_562, %swap3A_563], %gather3A_554 {strides = array<i32>} : memref<8x2048xf32, #tpu.memory_space<vmem>>, vector<16xf32>,
      %broadcast_in_dim3A_565 = arith.constant 5 : i32
      %broadcast_in_dim3A_566 = vector.broadcast %broadcast_in_dim3A_565 : i32 to vector<16xi32>
      %gather3A_567 = arith.constant 0 : i32
      %gather3A_568 = arith.constant 0 : i32
      %gather3A_569 = tpu.memref_slice %arg7[%scan3A_165, %gather3A_567, %gather3A_568] : memref<2x8x2048xf32, #tpu.memory_space<vmem>> -> memref<1x8x2048xf32, #tpu.memory_space<vmem>>
      %gather3A_570 = tpu.memref_squeeze %gather3A_569 : memref<1x8x2048xf32, #tpu.memory_space<vmem>> -> memref<8x2048xf32, #tpu.memory_space<vmem>>
      %gather3A_571 = tpu.vector_load_idx %gather3A_570[%broadcast_in_dim3A_566, %add3A_479] : memref<8x2048xf32, #tpu.memory_space<vmem>>[vector<16xi32>, vector<16xi32>], vector<16xf32>,
      %mul3A_572 = arith.constant 16 : i32
      %mul3A_573 = arith.muli %scan3A_466, %mul3A_572 : i32
      %swap3A_574 = arith.constant 5 : i32
      %swap3A_575 = arith.constant 0 : i32
      %swap3A_576 = arith.constant 0 : i32
      %swap3A_577 = tpu.memref_slice %arg8[%scan3A_166, %swap3A_575, %swap3A_576] : memref<2x8x2048xf32, #tpu.memory_space<vmem>> -> memref<1x8x2048xf32, #tpu.memory_space<vmem>>
      %swap3A_578 = tpu.memref_squeeze %swap3A_577 : memref<1x8x2048xf32, #tpu.memory_space<vmem>> -> memref<8x2048xf32, #tpu.memory_space<vmem>>
      %swap3A_579 = arith.index_cast %swap3A_574 : i32 to index
      %swap3A_580 = arith.index_cast %mul3A_573 : i32 to index
      %swap3A_581 = tpu.vector_load %swap3A_578[%swap3A_579, %swap3A_580] {strides = array<i32>} : memref<8x2048xf32, #tpu.memory_space<vmem>>, vector<16xf32>,
      tpu.vector_store %swap3A_578[%swap3A_579, %swap3A_580], %gather3A_571 {strides = array<i32>} : memref<8x2048xf32, #tpu.memory_space<vmem>>, vector<16xf32>,
      %broadcast_in_dim3A_582 = arith.constant 6 : i32
      %broadcast_in_dim3A_583 = vector.broadcast %broadcast_in_dim3A_582 : i32 to vector<16xi32>
      %gather3A_584 = arith.constant 0 : i32
      %gather3A_585 = arith.constant 0 : i32
      %gather3A_586 = tpu.memref_slice %arg7[%scan3A_165, %gather3A_584, %gather3A_585] : memref<2x8x2048xf32, #tpu.memory_space<vmem>> -> memref<1x8x2048xf32, #tpu.memory_space<vmem>>
      %gather3A_587 = tpu.memref_squeeze %gather3A_586 : memref<1x8x2048xf32, #tpu.memory_space<vmem>> -> memref<8x2048xf32, #tpu.memory_space<vmem>>
      %gather3A_588 = tpu.vector_load_idx %gather3A_587[%broadcast_in_dim3A_583, %add3A_479] : memref<8x2048xf32, #tpu.memory_space<vmem>>[vector<16xi32>, vector<16xi32>], vector<16xf32>,
      %mul3A_589 = arith.constant 16 : i32
      %mul3A_590 = arith.muli %scan3A_466, %mul3A_589 : i32
      %swap3A_591 = arith.constant 6 : i32
      %swap3A_592 = arith.constant 0 : i32
      %swap3A_593 = arith.constant 0 : i32
      %swap3A_594 = tpu.memref_slice %arg8[%scan3A_166, %swap3A_592, %swap3A_593] : memref<2x8x2048xf32, #tpu.memory_space<vmem>> -> memref<1x8x2048xf32, #tpu.memory_space<vmem>>
      %swap3A_595 = tpu.memref_squeeze %swap3A_594 : memref<1x8x2048xf32, #tpu.memory_space<vmem>> -> memref<8x2048xf32, #tpu.memory_space<vmem>>
      %swap3A_596 = arith.index_cast %swap3A_591 : i32 to index
      %swap3A_597 = arith.index_cast %mul3A_590 : i32 to index
      %swap3A_598 = tpu.vector_load %swap3A_595[%swap3A_596, %swap3A_597] {strides = array<i32>} : memref<8x2048xf32, #tpu.memory_space<vmem>>, vector<16xf32>,
      tpu.vector_store %swap3A_595[%swap3A_596, %swap3A_597], %gather3A_588 {strides = array<i32>} : memref<8x2048xf32, #tpu.memory_space<vmem>>, vector<16xf32>,
      %broadcast_in_dim3A_599 = arith.constant 7 : i32
      %broadcast_in_dim3A_600 = vector.broadcast %broadcast_in_dim3A_599 : i32 to vector<16xi32>
      %gather3A_601 = arith.constant 0 : i32
      %gather3A_602 = arith.constant 0 : i32
      %gather3A_603 = tpu.memref_slice %arg7[%scan3A_165, %gather3A_601, %gather3A_602] : memref<2x8x2048xf32, #tpu.memory_space<vmem>> -> memref<1x8x2048xf32, #tpu.memory_space<vmem>>
      %gather3A_604 = tpu.memref_squeeze %gather3A_603 : memref<1x8x2048xf32, #tpu.memory_space<vmem>> -> memref<8x2048xf32, #tpu.memory_space<vmem>>
      %gather3A_605 = tpu.vector_load_idx %gather3A_604[%broadcast_in_dim3A_600, %add3A_479] : memref<8x2048xf32, #tpu.memory_space<vmem>>[vector<16xi32>, vector<16xi32>], vector<16xf32>,
      %mul3A_606 = arith.constant 16 : i32
      %mul3A_607 = arith.muli %scan3A_466, %mul3A_606 : i32
      %swap3A_608 = arith.constant 7 : i32
      %swap3A_609 = arith.constant 0 : i32
      %swap3A_610 = arith.constant 0 : i32
      %swap3A_611 = tpu.memref_slice %arg8[%scan3A_166, %swap3A_609, %swap3A_610] : memref<2x8x2048xf32, #tpu.memory_space<vmem>> -> memref<1x8x2048xf32, #tpu.memory_space<vmem>>
      %swap3A_612 = tpu.memref_squeeze %swap3A_611 : memref<1x8x2048xf32, #tpu.memory_space<vmem>> -> memref<8x2048xf32, #tpu.memory_space<vmem>>
      %swap3A_613 = arith.index_cast %swap3A_608 : i32 to index
      %swap3A_614 = arith.index_cast %mul3A_607 : i32 to index
      %swap3A_615 = tpu.vector_load %swap3A_612[%swap3A_613, %swap3A_614] {strides = array<i32>} : memref<8x2048xf32, #tpu.memory_space<vmem>>, vector<16xf32>,
      tpu.vector_store %swap3A_612[%swap3A_613, %swap3A_614], %gather3A_605 {strides = array<i32>} : memref<8x2048xf32, #tpu.memory_space<vmem>>, vector<16xf32>,
      %reduce_max3A_616 = arith.constant true
      %reduce_max3A_617 = vector.broadcast %reduce_max3A_616 : i1 to vector<16xi1>
      %reduce_max3A_618 = arith.constant -2147483648 : i32
      %reduce_max3A_619 = vector.broadcast %reduce_max3A_618 : i32 to vector<16xi32>
      %reduce_max3A_620 = arith.xori %add3A_479, %reduce_max3A_619 : vector<16xi32>
      %reduce_max3A_621 = tpu.scan <max>, %reduce_max3A_620 masked %reduce_max3A_617 : vector<16xi32>, vector<16xi1> -> vector<16xi32>
      %reduce_max3A_622 = arith.xori %reduce_max3A_621, %reduce_max3A_619 : vector<16xi32>
      %reduce_max3A_623 = vector.extract %reduce_max3A_622[15] : i32 from vector<16xi32>
      scf.yield %reduce_max3A_623 : i32
    }
    %scan3A_173 = arith.constant 128 : i32
    %add3A_174 = arith.constant 0 : i32
    %add3A_175 = arith.addi %mul3A_2, %add3A_174 : i32
    %dma_start3A_176 = arith.constant 0 : i32
    %dma_start3A_177 = arith.constant 0 : i32
    %dma_start3A_178 = arith.constant 0 : i32
    %dma_start3A_179 = tpu.memref_slice %arg8[%dma_start3A_176, %dma_start3A_177, %dma_start3A_178] : memref<2x8x2048xf32, #tpu.memory_space<vmem>> -> memref<1x8x2048xf32, #tpu.memory_space<vmem>>
    %dma_start3A_180 = tpu.memref_squeeze %dma_start3A_179 : memref<1x8x2048xf32, #tpu.memory_space<vmem>> -> memref<8x2048xf32, #tpu.memory_space<vmem>>
    %dma_start3A_181 = arith.constant 0 : i32
    %dma_start3A_182 = arith.constant 0 : i32
    %dma_start3A_183 = tpu.memref_slice %arg5[%add3A_175, %dma_start3A_181, %dma_start3A_182] : memref<64x8x2048xf32, #tpu.memory_space<hbm>> -> memref<1x8x2048xf32, #tpu.memory_space<hbm>>
    %dma_start3A_184 = tpu.memref_squeeze %dma_start3A_183 : memref<1x8x2048xf32, #tpu.memory_space<hbm>> -> memref<8x2048xf32, #tpu.memory_space<hbm>>
    %dma_start3A_185 = arith.constant 0 : i32
    %dma_start3A_186 = arith.constant 0 : i32
    %dma_start3A_187 = tpu.memref_slice %arg5[%add3A_175, %dma_start3A_185, %dma_start3A_186] : memref<64x8x2048xf32, #tpu.memory_space<hbm>> -> memref<1x8x2048xf32, #tpu.memory_space<hbm>>
    %dma_start3A_188 = tpu.memref_squeeze %dma_start3A_187 : memref<1x8x2048xf32, #tpu.memory_space<hbm>> -> memref<8x2048xf32, #tpu.memory_space<hbm>>
    %dma_start3A_189 = arith.constant 0 : i32
    %dma_start3A_190 = arith.constant 0 : i32
    %dma_start3A_191 = tpu.memref_slice %arg8[%dma_start3A_176, %dma_start3A_189, %dma_start3A_190] : memref<2x8x2048xf32, #tpu.memory_space<vmem>> -> memref<1x8x2048xf32, #tpu.memory_space<vmem>>
    %dma_start3A_192 = tpu.memref_squeeze %dma_start3A_191 : memref<1x8x2048xf32, #tpu.memory_space<vmem>> -> memref<8x2048xf32, #tpu.memory_space<vmem>>
    tpu.enqueue_dma source(%dma_start3A_192 : memref<8x2048xf32, #tpu.memory_space<vmem>>) target(%dma_start3A_188 : memref<8x2048xf32, #tpu.memory_space<hbm>>) target_semaphore(%arg13 : memref<!tpu.dma_semaphore, #tpu.memory_space<semaphore_mem>>)
    %dma_wait3A_193 = arith.constant 1 : i32
    %dma_wait3A_194 = arith.constant 0 : i32
    %dma_wait3A_195 = tpu.memref_slice %arg6[%dma_wait3A_193, %dma_wait3A_194] : memref<2x2048xf32, #tpu.memory_space<vmem>> -> memref<1x2048xf32, #tpu.memory_space<vmem>>
    %dma_wait3A_196 = tpu.memref_squeeze %dma_wait3A_195 : memref<1x2048xf32, #tpu.memory_space<vmem>> -> memref<2048xf32, #tpu.memory_space<vmem>>
    %dma_wait3A_197 = arith.constant 0 : i32
    %dma_wait3A_198 = tpu.memref_slice %arg2[%add3A_55, %dma_wait3A_197] : memref<64x2048xf32, #tpu.memory_space<hbm>> -> memref<1x2048xf32, #tpu.memory_space<hbm>>
    %dma_wait3A_199 = tpu.memref_squeeze %dma_wait3A_198 : memref<1x2048xf32, #tpu.memory_space<hbm>> -> memref<2048xf32, #tpu.memory_space<hbm>>
    %dma_wait3A_200 = arith.constant 0 : i32
    %dma_wait3A_201 = tpu.memref_slice %arg6[%dma_wait3A_193, %dma_wait3A_200] : memref<2x2048xf32, #tpu.memory_space<vmem>> -> memref<1x2048xf32, #tpu.memory_space<vmem>>
    %dma_wait3A_202 = tpu.memref_squeeze %dma_wait3A_201 : memref<1x2048xf32, #tpu.memory_space<vmem>> -> memref<2048xf32, #tpu.memory_space<vmem>>
    %dma_wait3A_203 = arith.constant 0 : i32
    %dma_wait3A_204 = tpu.memref_slice %arg2[%add3A_55, %dma_wait3A_203] : memref<64x2048xf32, #tpu.memory_space<hbm>> -> memref<1x2048xf32, #tpu.memory_space<hbm>>
    %dma_wait3A_205 = tpu.memref_squeeze %dma_wait3A_204 : memref<1x2048xf32, #tpu.memory_space<hbm>> -> memref<2048xf32, #tpu.memory_space<hbm>>
    tpu.wait_dma2 semaphore(%arg12 : memref<!tpu.dma_semaphore, #tpu.memory_space<semaphore_mem>>) src(%dma_wait3A_205 : memref<2048xf32, #tpu.memory_space<hbm>>) dst(%dma_wait3A_202 : memref<2048xf32, #tpu.memory_space<vmem>>)
    %dma_wait3A_206 = arith.constant 1 : i32
    %dma_wait3A_207 = arith.constant 0 : i32
    %dma_wait3A_208 = tpu.memref_slice %arg9[%dma_wait3A_206, %dma_wait3A_207] : memref<2x16xf32, #tpu.memory_space<vmem>> -> memref<1x16xf32, #tpu.memory_space<vmem>>
    %dma_wait3A_209 = tpu.memref_squeeze %dma_wait3A_208 : memref<1x16xf32, #tpu.memory_space<vmem>> -> memref<16xf32, #tpu.memory_space<vmem>>
    %dma_wait3A_210 = arith.constant 0 : i32
    %dma_wait3A_211 = tpu.memref_slice %arg3[%add3A_70, %dma_wait3A_210] : memref<64x16xf32, #tpu.memory_space<hbm>> -> memref<1x16xf32, #tpu.memory_space<hbm>>
    %dma_wait3A_212 = tpu.memref_squeeze %dma_wait3A_211 : memref<1x16xf32, #tpu.memory_space<hbm>> -> memref<16xf32, #tpu.memory_space<hbm>>
    %dma_wait3A_213 = arith.constant 0 : i32
    %dma_wait3A_214 = tpu.memref_slice %arg9[%dma_wait3A_206, %dma_wait3A_213] : memref<2x16xf32, #tpu.memory_space<vmem>> -> memref<1x16xf32, #tpu.memory_space<vmem>>
    %dma_wait3A_215 = tpu.memref_squeeze %dma_wait3A_214 : memref<1x16xf32, #tpu.memory_space<vmem>> -> memref<16xf32, #tpu.memory_space<vmem>>
    %dma_wait3A_216 = arith.constant 0 : i32
    %dma_wait3A_217 = tpu.memref_slice %arg3[%add3A_70, %dma_wait3A_216] : memref<64x16xf32, #tpu.memory_space<hbm>> -> memref<1x16xf32, #tpu.memory_space<hbm>>
    %dma_wait3A_218 = tpu.memref_squeeze %dma_wait3A_217 : memref<1x16xf32, #tpu.memory_space<hbm>> -> memref<16xf32, #tpu.memory_space<hbm>>
    tpu.wait_dma2 semaphore(%arg12 : memref<!tpu.dma_semaphore, #tpu.memory_space<semaphore_mem>>) src(%dma_wait3A_218 : memref<16xf32, #tpu.memory_space<hbm>>) dst(%dma_wait3A_215 : memref<16xf32, #tpu.memory_space<vmem>>)
    %dma_wait3A_219 = arith.constant 1 : i32
    %dma_wait3A_220 = arith.constant 0 : i32
    %dma_wait3A_221 = arith.constant 0 : i32
    %dma_wait3A_222 = tpu.memref_slice %arg7[%dma_wait3A_219, %dma_wait3A_220, %dma_wait3A_221] : memref<2x8x2048xf32, #tpu.memory_space<vmem>> -> memref<1x8x2048xf32, #tpu.memory_space<vmem>>
    %dma_wait3A_223 = tpu.memref_squeeze %dma_wait3A_222 : memref<1x8x2048xf32, #tpu.memory_space<vmem>> -> memref<8x2048xf32, #tpu.memory_space<vmem>>
    %dma_wait3A_224 = arith.constant 0 : i32
    %dma_wait3A_225 = arith.constant 0 : i32
    %dma_wait3A_226 = tpu.memref_slice %arg4[%add3A_85, %dma_wait3A_224, %dma_wait3A_225] : memref<64x8x2048xf32, #tpu.memory_space<hbm>> -> memref<1x8x2048xf32, #tpu.memory_space<hbm>>
    %dma_wait3A_227 = tpu.memref_squeeze %dma_wait3A_226 : memref<1x8x2048xf32, #tpu.memory_space<hbm>> -> memref<8x2048xf32, #tpu.memory_space<hbm>>
    %dma_wait3A_228 = arith.constant 0 : i32
    %dma_wait3A_229 = arith.constant 0 : i32
    %dma_wait3A_230 = tpu.memref_slice %arg7[%dma_wait3A_219, %dma_wait3A_228, %dma_wait3A_229] : memref<2x8x2048xf32, #tpu.memory_space<vmem>> -> memref<1x8x2048xf32, #tpu.memory_space<vmem>>
    %dma_wait3A_231 = tpu.memref_squeeze %dma_wait3A_230 : memref<1x8x2048xf32, #tpu.memory_space<vmem>> -> memref<8x2048xf32, #tpu.memory_space<vmem>>
    %dma_wait3A_232 = arith.constant 0 : i32
    %dma_wait3A_233 = arith.constant 0 : i32
    %dma_wait3A_234 = tpu.memref_slice %arg4[%add3A_85, %dma_wait3A_232, %dma_wait3A_233] : memref<64x8x2048xf32, #tpu.memory_space<hbm>> -> memref<1x8x2048xf32, #tpu.memory_space<hbm>>
    %dma_wait3A_235 = tpu.memref_squeeze %dma_wait3A_234 : memref<1x8x2048xf32, #tpu.memory_space<hbm>> -> memref<8x2048xf32, #tpu.memory_space<hbm>>
    tpu.wait_dma2 semaphore(%arg12 : memref<!tpu.dma_semaphore, #tpu.memory_space<semaphore_mem>>) src(%dma_wait3A_235 : memref<8x2048xf32, #tpu.memory_space<hbm>>) dst(%dma_wait3A_231 : memref<8x2048xf32, #tpu.memory_space<vmem>>)
    %get3A_236 = arith.constant 1 : i32
    %get3A_237 = arith.index_cast %get3A_236 : i32 to index
    %get3A_238 = arith.constant 0 : index
    %get3A_239 = tpu.vector_load %arg9[%get3A_237, %get3A_238] {strides = array<i32>} : memref<2x16xf32, #tpu.memory_space<vmem>>, vector<16xf32>,
    %scan3A_240 = arith.constant 0 : i32
    %scan3A_241 = arith.constant 1 : i32
    %scan3A_242 = arith.constant 0 : i32
    %scan3A_243 = arith.constant 128 : i32
    %scan3A_244 = arith.addi %scan3A_242, %scan3A_243 : i32
    %scan3A_245 = arith.constant 4 : i32
    scf.for %scan3A_309 = %scan3A_242 to %scan3A_244 step %scan3A_245  : i32 {
      %mul3A_310 = arith.constant 16 : i32
      %mul3A_311 = arith.muli %scan3A_309, %mul3A_310 : i32
      %get3A_312 = arith.constant 0 : i32
      %get3A_313 = tpu.memref_slice %arg6[%scan3A_241, %get3A_312] : memref<2x2048xf32, #tpu.memory_space<vmem>> -> memref<1x2048xf32, #tpu.memory_space<vmem>>
      %get3A_314 = tpu.memref_squeeze %get3A_313 : memref<1x2048xf32, #tpu.memory_space<vmem>> -> memref<2048xf32, #tpu.memory_space<vmem>>
      %get3A_315 = arith.index_cast %mul3A_311 : i32 to index
      %get3A_316 = tpu.vector_load %get3A_314[%get3A_315] {strides = array<i32>} : memref<2048xf32, #tpu.memory_space<vmem>>, vector<16xf32>,
      %mul3A_317 = arith.constant 2.048000e+03 : f32
      %mul3A_318 = vector.broadcast %mul3A_317 : f32 to vector<16xf32>
      %mul3A_319 = arith.mulf %get3A_316, %mul3A_318 : vector<16xf32>
      %sub3A = arith.subf %mul3A_319, %get3A_239 : vector<16xf32>
      %convert_element_type3A = arith.fptosi %sub3A : vector<16xf32> to vector<16xi32>
      %sub3A_320 = arith.constant 1 : i32
      %sub3A_321 = vector.broadcast %sub3A_320 : i32 to vector<16xi32>
      %sub3A_322 = arith.subi %convert_element_type3A, %sub3A_321 : vector<16xi32>
      %add3A_323 = arith.constant 0 : i32
      %add3A_324 = vector.broadcast %add3A_323 : i32 to vector<16xi32>
      %add3A_325 = arith.addi %sub3A_322, %add3A_324 : vector<16xi32>
      %convert_element_type3A_326 = arith.sitofp %add3A_325 : vector<16xi32> to vector<16xf32>
      %add3A_327 = arith.addf %convert_element_type3A_326, %get3A_239 : vector<16xf32>
      %gt3A = arith.cmpf ogt, %add3A_327, %mul3A_319 : vector<16xf32>
      %jit3A = arith.constant 0 : i32
      %jit3A_328 = arith.constant 1 : i32
      %broadcast_in_dim3A_329 = vector.broadcast %jit3A : i32 to vector<16xi32>
      %broadcast_in_dim3A_330 = vector.broadcast %jit3A_328 : i32 to vector<16xi32>
      %select_n3A = arith.select %gt3A, %broadcast_in_dim3A_329, %broadcast_in_dim3A_330 : vector<16xi1>, vector<16xi32>
      %add3A_331 = arith.addi %broadcast_in_dim3A_5, %select_n3A : vector<16xi32>
      %add3A_332 = arith.constant 1 : i32
      %add3A_333 = vector.broadcast %add3A_332 : i32 to vector<16xi32>
      %add3A_334 = arith.addi %sub3A_322, %add3A_333 : vector<16xi32>
      %convert_element_type3A_335 = arith.sitofp %add3A_334 : vector<16xi32> to vector<16xf32>
      %add3A_336 = arith.addf %convert_element_type3A_335, %get3A_239 : vector<16xf32>
      %gt3A_337 = arith.cmpf ogt, %add3A_336, %mul3A_319 : vector<16xf32>
      %jit3A_338 = arith.constant 0 : i32
      %jit3A_339 = arith.constant 1 : i32
      %broadcast_in_dim3A_340 = vector.broadcast %jit3A_338 : i32 to vector<16xi32>
      %broadcast_in_dim3A_341 = vector.broadcast %jit3A_339 : i32 to vector<16xi32>
      %select_n3A_342 = arith.select %gt3A_337, %broadcast_in_dim3A_340, %broadcast_in_dim3A_341 : vector<16xi1>, vector<16xi32>
      %add3A_343 = arith.addi %add3A_331, %select_n3A_342 : vector<16xi32>
      %add3A_344 = arith.constant 2 : i32
      %add3A_345 = vector.broadcast %add3A_344 : i32 to vector<16xi32>
      %add3A_346 = arith.addi %sub3A_322, %add3A_345 : vector<16xi32>
      %convert_element_type3A_347 = arith.sitofp %add3A_346 : vector<16xi32> to vector<16xf32>
      %add3A_348 = arith.addf %convert_element_type3A_347, %get3A_239 : vector<16xf32>
      %gt3A_349 = arith.cmpf ogt, %add3A_348, %mul3A_319 : vector<16xf32>
      %jit3A_350 = arith.constant 0 : i32
      %jit3A_351 = arith.constant 1 : i32
      %broadcast_in_dim3A_352 = vector.broadcast %jit3A_350 : i32 to vector<16xi32>
      %broadcast_in_dim3A_353 = vector.broadcast %jit3A_351 : i32 to vector<16xi32>
      %select_n3A_354 = arith.select %gt3A_349, %broadcast_in_dim3A_352, %broadcast_in_dim3A_353 : vector<16xi1>, vector<16xi32>
      %add3A_355 = arith.addi %add3A_343, %select_n3A_354 : vector<16xi32>
      %add3A_356 = arith.constant 3 : i32
      %add3A_357 = vector.broadcast %add3A_356 : i32 to vector<16xi32>
      %add3A_358 = arith.addi %sub3A_322, %add3A_357 : vector<16xi32>
      %convert_element_type3A_359 = arith.sitofp %add3A_358 : vector<16xi32> to vector<16xf32>
      %add3A_360 = arith.addf %convert_element_type3A_359, %get3A_239 : vector<16xf32>
      %gt3A_361 = arith.cmpf ogt, %add3A_360, %mul3A_319 : vector<16xf32>
      %jit3A_362 = arith.constant 0 : i32
      %jit3A_363 = arith.constant 1 : i32
      %broadcast_in_dim3A_364 = vector.broadcast %jit3A_362 : i32 to vector<16xi32>
      %broadcast_in_dim3A_365 = vector.broadcast %jit3A_363 : i32 to vector<16xi32>
      %select_n3A_366 = arith.select %gt3A_361, %broadcast_in_dim3A_364, %broadcast_in_dim3A_365 : vector<16xi1>, vector<16xi32>
      %add3A_367 = arith.addi %add3A_355, %select_n3A_366 : vector<16xi32>
      %add3A_368 = arith.addi %sub3A_322, %add3A_367 : vector<16xi32>
      %max3A = arith.constant 0 : i32
      %max3A_369 = vector.broadcast %max3A : i32 to vector<16xi32>
      %max3A_370 = arith.maxsi %add3A_368, %max3A_369 : vector<16xi32>
      %min3A = arith.constant 2048 : i32
      %min3A_371 = vector.broadcast %min3A : i32 to vector<16xi32>
      %min3A_372 = arith.minsi %max3A_370, %min3A_371 : vector<16xi32>
      tpu.vector_store_idx %arg10[%min3A_372], %broadcast_in_dim3A_3 {add = true} : memref<2064xi32, #tpu.memory_space<vmem>>[vector<16xi32>], vector<16xi32>,
      %scan3A_373 = arith.constant 1 : i32
      %scan3A_374 = arith.addi %scan3A_309, %scan3A_373 : i32
      %mul3A_375 = arith.constant 16 : i32
      %mul3A_376 = arith.muli %scan3A_374, %mul3A_375 : i32
      %get3A_377 = arith.constant 0 : i32
      %get3A_378 = tpu.memref_slice %arg6[%scan3A_241, %get3A_377] : memref<2x2048xf32, #tpu.memory_space<vmem>> -> memref<1x2048xf32, #tpu.memory_space<vmem>>
      %get3A_379 = tpu.memref_squeeze %get3A_378 : memref<1x2048xf32, #tpu.memory_space<vmem>> -> memref<2048xf32, #tpu.memory_space<vmem>>
      %get3A_380 = arith.index_cast %mul3A_376 : i32 to index
      %get3A_381 = tpu.vector_load %get3A_379[%get3A_380] {strides = array<i32>} : memref<2048xf32, #tpu.memory_space<vmem>>, vector<16xf32>,
      %mul3A_382 = arith.constant 2.048000e+03 : f32
      %mul3A_383 = vector.broadcast %mul3A_382 : f32 to vector<16xf32>
      %mul3A_384 = arith.mulf %get3A_381, %mul3A_383 : vector<16xf32>
      %sub3A_385 = arith.subf %mul3A_384, %get3A_239 : vector<16xf32>
      %convert_element_type3A_386 = arith.fptosi %sub3A_385 : vector<16xf32> to vector<16xi32>
      %sub3A_387 = arith.constant 1 : i32
      %sub3A_388 = vector.broadcast %sub3A_387 : i32 to vector<16xi32>
      %sub3A_389 = arith.subi %convert_element_type3A_386, %sub3A_388 : vector<16xi32>
      %add3A_390 = arith.constant 0 : i32
      %add3A_391 = vector.broadcast %add3A_390 : i32 to vector<16xi32>
      %add3A_392 = arith.addi %sub3A_389, %add3A_391 : vector<16xi32>
      %convert_element_type3A_393 = arith.sitofp %add3A_392 : vector<16xi32> to vector<16xf32>
      %add3A_394 = arith.addf %convert_element_type3A_393, %get3A_239 : vector<16xf32>
      %gt3A_395 = arith.cmpf ogt, %add3A_394, %mul3A_384 : vector<16xf32>
      %jit3A_396 = arith.constant 0 : i32
      %jit3A_397 = arith.constant 1 : i32
      %broadcast_in_dim3A_398 = vector.broadcast %jit3A_396 : i32 to vector<16xi32>
      %broadcast_in_dim3A_399 = vector.broadcast %jit3A_397 : i32 to vector<16xi32>
      %select_n3A_400 = arith.select %gt3A_395, %broadcast_in_dim3A_398, %broadcast_in_dim3A_399 : vector<16xi1>, vector<16xi32>
      %add3A_401 = arith.addi %broadcast_in_dim3A_5, %select_n3A_400 : vector<16xi32>
      %add3A_402 = arith.constant 1 : i32
      %add3A_403 = vector.broadcast %add3A_402 : i32 to vector<16xi32>
      %add3A_404 = arith.addi %sub3A_389, %add3A_403 : vector<16xi32>
      %convert_element_type3A_405 = arith.sitofp %add3A_404 : vector<16xi32> to vector<16xf32>
      %add3A_406 = arith.addf %convert_element_type3A_405, %get3A_239 : vector<16xf32>
      %gt3A_407 = arith.cmpf ogt, %add3A_406, %mul3A_384 : vector<16xf32>
      %jit3A_408 = arith.constant 0 : i32
      %jit3A_409 = arith.constant 1 : i32
      %broadcast_in_dim3A_410 = vector.broadcast %jit3A_408 : i32 to vector<16xi32>
      %broadcast_in_dim3A_411 = vector.broadcast %jit3A_409 : i32 to vector<16xi32>
      %select_n3A_412 = arith.select %gt3A_407, %broadcast_in_dim3A_410, %broadcast_in_dim3A_411 : vector<16xi1>, vector<16xi32>
      %add3A_413 = arith.addi %add3A_401, %select_n3A_412 : vector<16xi32>
      %add3A_414 = arith.constant 2 : i32
      %add3A_415 = vector.broadcast %add3A_414 : i32 to vector<16xi32>
      %add3A_416 = arith.addi %sub3A_389, %add3A_415 : vector<16xi32>
      %convert_element_type3A_417 = arith.sitofp %add3A_416 : vector<16xi32> to vector<16xf32>
      %add3A_418 = arith.addf %convert_element_type3A_417, %get3A_239 : vector<16xf32>
      %gt3A_419 = arith.cmpf ogt, %add3A_418, %mul3A_384 : vector<16xf32>
      %jit3A_420 = arith.constant 0 : i32
      %jit3A_421 = arith.constant 1 : i32
      %broadcast_in_dim3A_422 = vector.broadcast %jit3A_420 : i32 to vector<16xi32>
      %broadcast_in_dim3A_423 = vector.broadcast %jit3A_421 : i32 to vector<16xi32>
      %select_n3A_424 = arith.select %gt3A_419, %broadcast_in_dim3A_422, %broadcast_in_dim3A_423 : vector<16xi1>, vector<16xi32>
      %add3A_425 = arith.addi %add3A_413, %select_n3A_424 : vector<16xi32>
      %add3A_426 = arith.constant 3 : i32
      %add3A_427 = vector.broadcast %add3A_426 : i32 to vector<16xi32>
      %add3A_428 = arith.addi %sub3A_389, %add3A_427 : vector<16xi32>
      %convert_element_type3A_429 = arith.sitofp %add3A_428 : vector<16xi32> to vector<16xf32>
      %add3A_430 = arith.addf %convert_element_type3A_429, %get3A_239 : vector<16xf32>
      %gt3A_431 = arith.cmpf ogt, %add3A_430, %mul3A_384 : vector<16xf32>
      %jit3A_432 = arith.constant 0 : i32
      %jit3A_433 = arith.constant 1 : i32
      %broadcast_in_dim3A_434 = vector.broadcast %jit3A_432 : i32 to vector<16xi32>
      %broadcast_in_dim3A_435 = vector.broadcast %jit3A_433 : i32 to vector<16xi32>
      %select_n3A_436 = arith.select %gt3A_431, %broadcast_in_dim3A_434, %broadcast_in_dim3A_435 : vector<16xi1>, vector<16xi32>
      %add3A_437 = arith.addi %add3A_425, %select_n3A_436 : vector<16xi32>
      %add3A_438 = arith.addi %sub3A_389, %add3A_437 : vector<16xi32>
      %max3A_439 = arith.constant 0 : i32
      %max3A_440 = vector.broadcast %max3A_439 : i32 to vector<16xi32>
      %max3A_441 = arith.maxsi %add3A_438, %max3A_440 : vector<16xi32>
      %min3A_442 = arith.constant 2048 : i32
      %min3A_443 = vector.broadcast %min3A_442 : i32 to vector<16xi32>
      %min3A_444 = arith.minsi %max3A_441, %min3A_443 : vector<16xi32>
      tpu.vector_store_idx %arg10[%min3A_444], %broadcast_in_dim3A_3 {add = true} : memref<2064xi32, #tpu.memory_space<vmem>>[vector<16xi32>], vector<16xi32>,
      %scan3A_445 = arith.constant 2 : i32
      %scan3A_446 = arith.addi %scan3A_309, %scan3A_445 : i32
      %mul3A_447 = arith.constant 16 : i32
      %mul3A_448 = arith.muli %scan3A_446, %mul3A_447 : i32
      %get3A_449 = arith.constant 0 : i32
      %get3A_450 = tpu.memref_slice %arg6[%scan3A_241, %get3A_449] : memref<2x2048xf32, #tpu.memory_space<vmem>> -> memref<1x2048xf32, #tpu.memory_space<vmem>>
      %get3A_451 = tpu.memref_squeeze %get3A_450 : memref<1x2048xf32, #tpu.memory_space<vmem>> -> memref<2048xf32, #tpu.memory_space<vmem>>
      %get3A_452 = arith.index_cast %mul3A_448 : i32 to index
      %get3A_453 = tpu.vector_load %get3A_451[%get3A_452] {strides = array<i32>} : memref<2048xf32, #tpu.memory_space<vmem>>, vector<16xf32>,
      %mul3A_454 = arith.constant 2.048000e+03 : f32
      %mul3A_455 = vector.broadcast %mul3A_454 : f32 to vector<16xf32>
      %mul3A_456 = arith.mulf %get3A_453, %mul3A_455 : vector<16xf32>
      %sub3A_457 = arith.subf %mul3A_456, %get3A_239 : vector<16xf32>
      %convert_element_type3A_458 = arith.fptosi %sub3A_457 : vector<16xf32> to vector<16xi32>
      %sub3A_459 = arith.constant 1 : i32
      %sub3A_460 = vector.broadcast %sub3A_459 : i32 to vector<16xi32>
      %sub3A_461 = arith.subi %convert_element_type3A_458, %sub3A_460 : vector<16xi32>
      %add3A_462 = arith.constant 0 : i32
      %add3A_463 = vector.broadcast %add3A_462 : i32 to vector<16xi32>
      %add3A_464 = arith.addi %sub3A_461, %add3A_463 : vector<16xi32>
      %convert_element_type3A_465 = arith.sitofp %add3A_464 : vector<16xi32> to vector<16xf32>
      %add3A_466 = arith.addf %convert_element_type3A_465, %get3A_239 : vector<16xf32>
      %gt3A_467 = arith.cmpf ogt, %add3A_466, %mul3A_456 : vector<16xf32>
      %jit3A_468 = arith.constant 0 : i32
      %jit3A_469 = arith.constant 1 : i32
      %broadcast_in_dim3A_470 = vector.broadcast %jit3A_468 : i32 to vector<16xi32>
      %broadcast_in_dim3A_471 = vector.broadcast %jit3A_469 : i32 to vector<16xi32>
      %select_n3A_472 = arith.select %gt3A_467, %broadcast_in_dim3A_470, %broadcast_in_dim3A_471 : vector<16xi1>, vector<16xi32>
      %add3A_473 = arith.addi %broadcast_in_dim3A_5, %select_n3A_472 : vector<16xi32>
      %add3A_474 = arith.constant 1 : i32
      %add3A_475 = vector.broadcast %add3A_474 : i32 to vector<16xi32>
      %add3A_476 = arith.addi %sub3A_461, %add3A_475 : vector<16xi32>
      %convert_element_type3A_477 = arith.sitofp %add3A_476 : vector<16xi32> to vector<16xf32>
      %add3A_478 = arith.addf %convert_element_type3A_477, %get3A_239 : vector<16xf32>
      %gt3A_479 = arith.cmpf ogt, %add3A_478, %mul3A_456 : vector<16xf32>
      %jit3A_480 = arith.constant 0 : i32
      %jit3A_481 = arith.constant 1 : i32
      %broadcast_in_dim3A_482 = vector.broadcast %jit3A_480 : i32 to vector<16xi32>
      %broadcast_in_dim3A_483 = vector.broadcast %jit3A_481 : i32 to vector<16xi32>
      %select_n3A_484 = arith.select %gt3A_479, %broadcast_in_dim3A_482, %broadcast_in_dim3A_483 : vector<16xi1>, vector<16xi32>
      %add3A_485 = arith.addi %add3A_473, %select_n3A_484 : vector<16xi32>
      %add3A_486 = arith.constant 2 : i32
      %add3A_487 = vector.broadcast %add3A_486 : i32 to vector<16xi32>
      %add3A_488 = arith.addi %sub3A_461, %add3A_487 : vector<16xi32>
      %convert_element_type3A_489 = arith.sitofp %add3A_488 : vector<16xi32> to vector<16xf32>
      %add3A_490 = arith.addf %convert_element_type3A_489, %get3A_239 : vector<16xf32>
      %gt3A_491 = arith.cmpf ogt, %add3A_490, %mul3A_456 : vector<16xf32>
      %jit3A_492 = arith.constant 0 : i32
      %jit3A_493 = arith.constant 1 : i32
      %broadcast_in_dim3A_494 = vector.broadcast %jit3A_492 : i32 to vector<16xi32>
      %broadcast_in_dim3A_495 = vector.broadcast %jit3A_493 : i32 to vector<16xi32>
      %select_n3A_496 = arith.select %gt3A_491, %broadcast_in_dim3A_494, %broadcast_in_dim3A_495 : vector<16xi1>, vector<16xi32>
      %add3A_497 = arith.addi %add3A_485, %select_n3A_496 : vector<16xi32>
      %add3A_498 = arith.constant 3 : i32
      %add3A_499 = vector.broadcast %add3A_498 : i32 to vector<16xi32>
      %add3A_500 = arith.addi %sub3A_461, %add3A_499 : vector<16xi32>
      %convert_element_type3A_501 = arith.sitofp %add3A_500 : vector<16xi32> to vector<16xf32>
      %add3A_502 = arith.addf %convert_element_type3A_501, %get3A_239 : vector<16xf32>
      %gt3A_503 = arith.cmpf ogt, %add3A_502, %mul3A_456 : vector<16xf32>
      %jit3A_504 = arith.constant 0 : i32
      %jit3A_505 = arith.constant 1 : i32
      %broadcast_in_dim3A_506 = vector.broadcast %jit3A_504 : i32 to vector<16xi32>
      %broadcast_in_dim3A_507 = vector.broadcast %jit3A_505 : i32 to vector<16xi32>
      %select_n3A_508 = arith.select %gt3A_503, %broadcast_in_dim3A_506, %broadcast_in_dim3A_507 : vector<16xi1>, vector<16xi32>
      %add3A_509 = arith.addi %add3A_497, %select_n3A_508 : vector<16xi32>
      %add3A_510 = arith.addi %sub3A_461, %add3A_509 : vector<16xi32>
      %max3A_511 = arith.constant 0 : i32
      %max3A_512 = vector.broadcast %max3A_511 : i32 to vector<16xi32>
      %max3A_513 = arith.maxsi %add3A_510, %max3A_512 : vector<16xi32>
      %min3A_514 = arith.constant 2048 : i32
      %min3A_515 = vector.broadcast %min3A_514 : i32 to vector<16xi32>
      %min3A_516 = arith.minsi %max3A_513, %min3A_515 : vector<16xi32>
      tpu.vector_store_idx %arg10[%min3A_516], %broadcast_in_dim3A_3 {add = true} : memref<2064xi32, #tpu.memory_space<vmem>>[vector<16xi32>], vector<16xi32>,
      %scan3A_517 = arith.constant 3 : i32
      %scan3A_518 = arith.addi %scan3A_309, %scan3A_517 : i32
      %mul3A_519 = arith.constant 16 : i32
      %mul3A_520 = arith.muli %scan3A_518, %mul3A_519 : i32
      %get3A_521 = arith.constant 0 : i32
      %get3A_522 = tpu.memref_slice %arg6[%scan3A_241, %get3A_521] : memref<2x2048xf32, #tpu.memory_space<vmem>> -> memref<1x2048xf32, #tpu.memory_space<vmem>>
      %get3A_523 = tpu.memref_squeeze %get3A_522 : memref<1x2048xf32, #tpu.memory_space<vmem>> -> memref<2048xf32, #tpu.memory_space<vmem>>
      %get3A_524 = arith.index_cast %mul3A_520 : i32 to index
      %get3A_525 = tpu.vector_load %get3A_523[%get3A_524] {strides = array<i32>} : memref<2048xf32, #tpu.memory_space<vmem>>, vector<16xf32>,
      %mul3A_526 = arith.constant 2.048000e+03 : f32
      %mul3A_527 = vector.broadcast %mul3A_526 : f32 to vector<16xf32>
      %mul3A_528 = arith.mulf %get3A_525, %mul3A_527 : vector<16xf32>
      %sub3A_529 = arith.subf %mul3A_528, %get3A_239 : vector<16xf32>
      %convert_element_type3A_530 = arith.fptosi %sub3A_529 : vector<16xf32> to vector<16xi32>
      %sub3A_531 = arith.constant 1 : i32
      %sub3A_532 = vector.broadcast %sub3A_531 : i32 to vector<16xi32>
      %sub3A_533 = arith.subi %convert_element_type3A_530, %sub3A_532 : vector<16xi32>
      %add3A_534 = arith.constant 0 : i32
      %add3A_535 = vector.broadcast %add3A_534 : i32 to vector<16xi32>
      %add3A_536 = arith.addi %sub3A_533, %add3A_535 : vector<16xi32>
      %convert_element_type3A_537 = arith.sitofp %add3A_536 : vector<16xi32> to vector<16xf32>
      %add3A_538 = arith.addf %convert_element_type3A_537, %get3A_239 : vector<16xf32>
      %gt3A_539 = arith.cmpf ogt, %add3A_538, %mul3A_528 : vector<16xf32>
      %jit3A_540 = arith.constant 0 : i32
      %jit3A_541 = arith.constant 1 : i32
      %broadcast_in_dim3A_542 = vector.broadcast %jit3A_540 : i32 to vector<16xi32>
      %broadcast_in_dim3A_543 = vector.broadcast %jit3A_541 : i32 to vector<16xi32>
      %select_n3A_544 = arith.select %gt3A_539, %broadcast_in_dim3A_542, %broadcast_in_dim3A_543 : vector<16xi1>, vector<16xi32>
      %add3A_545 = arith.addi %broadcast_in_dim3A_5, %select_n3A_544 : vector<16xi32>
      %add3A_546 = arith.constant 1 : i32
      %add3A_547 = vector.broadcast %add3A_546 : i32 to vector<16xi32>
      %add3A_548 = arith.addi %sub3A_533, %add3A_547 : vector<16xi32>
      %convert_element_type3A_549 = arith.sitofp %add3A_548 : vector<16xi32> to vector<16xf32>
      %add3A_550 = arith.addf %convert_element_type3A_549, %get3A_239 : vector<16xf32>
      %gt3A_551 = arith.cmpf ogt, %add3A_550, %mul3A_528 : vector<16xf32>
      %jit3A_552 = arith.constant 0 : i32
      %jit3A_553 = arith.constant 1 : i32
      %broadcast_in_dim3A_554 = vector.broadcast %jit3A_552 : i32 to vector<16xi32>
      %broadcast_in_dim3A_555 = vector.broadcast %jit3A_553 : i32 to vector<16xi32>
      %select_n3A_556 = arith.select %gt3A_551, %broadcast_in_dim3A_554, %broadcast_in_dim3A_555 : vector<16xi1>, vector<16xi32>
      %add3A_557 = arith.addi %add3A_545, %select_n3A_556 : vector<16xi32>
      %add3A_558 = arith.constant 2 : i32
      %add3A_559 = vector.broadcast %add3A_558 : i32 to vector<16xi32>
      %add3A_560 = arith.addi %sub3A_533, %add3A_559 : vector<16xi32>
      %convert_element_type3A_561 = arith.sitofp %add3A_560 : vector<16xi32> to vector<16xf32>
      %add3A_562 = arith.addf %convert_element_type3A_561, %get3A_239 : vector<16xf32>
      %gt3A_563 = arith.cmpf ogt, %add3A_562, %mul3A_528 : vector<16xf32>
      %jit3A_564 = arith.constant 0 : i32
      %jit3A_565 = arith.constant 1 : i32
      %broadcast_in_dim3A_566 = vector.broadcast %jit3A_564 : i32 to vector<16xi32>
      %broadcast_in_dim3A_567 = vector.broadcast %jit3A_565 : i32 to vector<16xi32>
      %select_n3A_568 = arith.select %gt3A_563, %broadcast_in_dim3A_566, %broadcast_in_dim3A_567 : vector<16xi1>, vector<16xi32>
      %add3A_569 = arith.addi %add3A_557, %select_n3A_568 : vector<16xi32>
      %add3A_570 = arith.constant 3 : i32
      %add3A_571 = vector.broadcast %add3A_570 : i32 to vector<16xi32>
      %add3A_572 = arith.addi %sub3A_533, %add3A_571 : vector<16xi32>
      %convert_element_type3A_573 = arith.sitofp %add3A_572 : vector<16xi32> to vector<16xf32>
      %add3A_574 = arith.addf %convert_element_type3A_573, %get3A_239 : vector<16xf32>
      %gt3A_575 = arith.cmpf ogt, %add3A_574, %mul3A_528 : vector<16xf32>
      %jit3A_576 = arith.constant 0 : i32
      %jit3A_577 = arith.constant 1 : i32
      %broadcast_in_dim3A_578 = vector.broadcast %jit3A_576 : i32 to vector<16xi32>
      %broadcast_in_dim3A_579 = vector.broadcast %jit3A_577 : i32 to vector<16xi32>
      %select_n3A_580 = arith.select %gt3A_575, %broadcast_in_dim3A_578, %broadcast_in_dim3A_579 : vector<16xi1>, vector<16xi32>
      %add3A_581 = arith.addi %add3A_569, %select_n3A_580 : vector<16xi32>
      %add3A_582 = arith.addi %sub3A_533, %add3A_581 : vector<16xi32>
      %max3A_583 = arith.constant 0 : i32
      %max3A_584 = vector.broadcast %max3A_583 : i32 to vector<16xi32>
      %max3A_585 = arith.maxsi %add3A_582, %max3A_584 : vector<16xi32>
      %min3A_586 = arith.constant 2048 : i32
      %min3A_587 = vector.broadcast %min3A_586 : i32 to vector<16xi32>
      %min3A_588 = arith.minsi %max3A_585, %min3A_587 : vector<16xi32>
      tpu.vector_store_idx %arg10[%min3A_588], %broadcast_in_dim3A_3 {add = true} : memref<2064xi32, #tpu.memory_space<vmem>>[vector<16xi32>], vector<16xi32>,
    }
    %scan3A_246 = arith.constant 128 : i32
    %scan3A_247 = arith.constant 1 : i32
    %scan3A_248 = arith.constant 1 : i32
    %scan3A_249 = arith.constant 0 : i32
    %scan3A_250 = arith.constant 0 : i32
    %scan3A_251 = arith.constant 128 : i32
    %scan3A_252 = arith.addi %scan3A_250, %scan3A_251 : i32
    %scan3A_253 = arith.constant 2 : i32
    %scan3A_254 = scf.for %scan3A_309 = %scan3A_250 to %scan3A_252 step %scan3A_253 iter_args(%scan3A_310 = %scan3A_249) -> (i32)  : i32 {
      %mul3A_311 = arith.constant 16 : i32
      %mul3A_312 = arith.muli %scan3A_309, %mul3A_311 : i32
      %get3A_313 = arith.index_cast %mul3A_312 : i32 to index
      %get3A_314 = tpu.vector_load %arg10[%get3A_313] {strides = array<i32>} : memref<2064xi32, #tpu.memory_space<vmem>>, vector<16xi32>,
      %mul3A_315 = arith.constant 16 : i32
      %mul3A_316 = arith.muli %scan3A_309, %mul3A_315 : i32
      %swap3A_317 = arith.index_cast %mul3A_316 : i32 to index
      %swap3A_318 = tpu.vector_load %arg10[%swap3A_317] {strides = array<i32>} : memref<2064xi32, #tpu.memory_space<vmem>>, vector<16xi32>,
      tpu.vector_store %arg10[%swap3A_317], %broadcast_in_dim3A_5 {strides = array<i32>} : memref<2064xi32, #tpu.memory_space<vmem>>, vector<16xi32>,
      %broadcast_in_dim3A_319 = arith.constant true
      %broadcast_in_dim3A_320 = vector.broadcast %broadcast_in_dim3A_319 : i1 to vector<16xi1>
      %masked_cumsum3A = tpu.scan <sum>, %get3A_314 masked %broadcast_in_dim3A_320 : vector<16xi32>, vector<16xi1> -> vector<16xi32>
      %add3A_321 = vector.broadcast %scan3A_310 : i32 to vector<16xi32>
      %add3A_322 = arith.addi %masked_cumsum3A, %add3A_321 : vector<16xi32>
      %broadcast_in_dim3A_323 = arith.constant 0 : i32
      %broadcast_in_dim3A_324 = vector.broadcast %broadcast_in_dim3A_323 : i32 to vector<16xi32>
      %gather3A = arith.constant 0 : i32
      %gather3A_325 = arith.constant 0 : i32
      %gather3A_326 = tpu.memref_slice %arg7[%scan3A_247, %gather3A, %gather3A_325] : memref<2x8x2048xf32, #tpu.memory_space<vmem>> -> memref<1x8x2048xf32, #tpu.memory_space<vmem>>
      %gather3A_327 = tpu.memref_squeeze %gather3A_326 : memref<1x8x2048xf32, #tpu.memory_space<vmem>> -> memref<8x2048xf32, #tpu.memory_space<vmem>>
      %gather3A_328 = tpu.vector_load_idx %gather3A_327[%broadcast_in_dim3A_324, %add3A_322] : memref<8x2048xf32, #tpu.memory_space<vmem>>[vector<16xi32>, vector<16xi32>], vector<16xf32>,
      %mul3A_329 = arith.constant 16 : i32
      %mul3A_330 = arith.muli %scan3A_309, %mul3A_329 : i32
      %swap3A_331 = arith.constant 0 : i32
      %swap3A_332 = arith.constant 0 : i32
      %swap3A_333 = arith.constant 0 : i32
      %swap3A_334 = tpu.memref_slice %arg8[%scan3A_248, %swap3A_332, %swap3A_333] : memref<2x8x2048xf32, #tpu.memory_space<vmem>> -> memref<1x8x2048xf32, #tpu.memory_space<vmem>>
      %swap3A_335 = tpu.memref_squeeze %swap3A_334 : memref<1x8x2048xf32, #tpu.memory_space<vmem>> -> memref<8x2048xf32, #tpu.memory_space<vmem>>
      %swap3A_336 = arith.index_cast %swap3A_331 : i32 to index
      %swap3A_337 = arith.index_cast %mul3A_330 : i32 to index
      %swap3A_338 = tpu.vector_load %swap3A_335[%swap3A_336, %swap3A_337] {strides = array<i32>} : memref<8x2048xf32, #tpu.memory_space<vmem>>, vector<16xf32>,
      tpu.vector_store %swap3A_335[%swap3A_336, %swap3A_337], %gather3A_328 {strides = array<i32>} : memref<8x2048xf32, #tpu.memory_space<vmem>>, vector<16xf32>,
      %broadcast_in_dim3A_339 = arith.constant 1 : i32
      %broadcast_in_dim3A_340 = vector.broadcast %broadcast_in_dim3A_339 : i32 to vector<16xi32>
      %gather3A_341 = arith.constant 0 : i32
      %gather3A_342 = arith.constant 0 : i32
      %gather3A_343 = tpu.memref_slice %arg7[%scan3A_247, %gather3A_341, %gather3A_342] : memref<2x8x2048xf32, #tpu.memory_space<vmem>> -> memref<1x8x2048xf32, #tpu.memory_space<vmem>>
      %gather3A_344 = tpu.memref_squeeze %gather3A_343 : memref<1x8x2048xf32, #tpu.memory_space<vmem>> -> memref<8x2048xf32, #tpu.memory_space<vmem>>
      %gather3A_345 = tpu.vector_load_idx %gather3A_344[%broadcast_in_dim3A_340, %add3A_322] : memref<8x2048xf32, #tpu.memory_space<vmem>>[vector<16xi32>, vector<16xi32>], vector<16xf32>,
      %mul3A_346 = arith.constant 16 : i32
      %mul3A_347 = arith.muli %scan3A_309, %mul3A_346 : i32
      %swap3A_348 = arith.constant 1 : i32
      %swap3A_349 = arith.constant 0 : i32
      %swap3A_350 = arith.constant 0 : i32
      %swap3A_351 = tpu.memref_slice %arg8[%scan3A_248, %swap3A_349, %swap3A_350] : memref<2x8x2048xf32, #tpu.memory_space<vmem>> -> memref<1x8x2048xf32, #tpu.memory_space<vmem>>
      %swap3A_352 = tpu.memref_squeeze %swap3A_351 : memref<1x8x2048xf32, #tpu.memory_space<vmem>> -> memref<8x2048xf32, #tpu.memory_space<vmem>>
      %swap3A_353 = arith.index_cast %swap3A_348 : i32 to index
      %swap3A_354 = arith.index_cast %mul3A_347 : i32 to index
      %swap3A_355 = tpu.vector_load %swap3A_352[%swap3A_353, %swap3A_354] {strides = array<i32>} : memref<8x2048xf32, #tpu.memory_space<vmem>>, vector<16xf32>,
      tpu.vector_store %swap3A_352[%swap3A_353, %swap3A_354], %gather3A_345 {strides = array<i32>} : memref<8x2048xf32, #tpu.memory_space<vmem>>, vector<16xf32>,
      %broadcast_in_dim3A_356 = arith.constant 2 : i32
      %broadcast_in_dim3A_357 = vector.broadcast %broadcast_in_dim3A_356 : i32 to vector<16xi32>
      %gather3A_358 = arith.constant 0 : i32
      %gather3A_359 = arith.constant 0 : i32
      %gather3A_360 = tpu.memref_slice %arg7[%scan3A_247, %gather3A_358, %gather3A_359] : memref<2x8x2048xf32, #tpu.memory_space<vmem>> -> memref<1x8x2048xf32, #tpu.memory_space<vmem>>
      %gather3A_361 = tpu.memref_squeeze %gather3A_360 : memref<1x8x2048xf32, #tpu.memory_space<vmem>> -> memref<8x2048xf32, #tpu.memory_space<vmem>>
      %gather3A_362 = tpu.vector_load_idx %gather3A_361[%broadcast_in_dim3A_357, %add3A_322] : memref<8x2048xf32, #tpu.memory_space<vmem>>[vector<16xi32>, vector<16xi32>], vector<16xf32>,
      %mul3A_363 = arith.constant 16 : i32
      %mul3A_364 = arith.muli %scan3A_309, %mul3A_363 : i32
      %swap3A_365 = arith.constant 2 : i32
      %swap3A_366 = arith.constant 0 : i32
      %swap3A_367 = arith.constant 0 : i32
      %swap3A_368 = tpu.memref_slice %arg8[%scan3A_248, %swap3A_366, %swap3A_367] : memref<2x8x2048xf32, #tpu.memory_space<vmem>> -> memref<1x8x2048xf32, #tpu.memory_space<vmem>>
      %swap3A_369 = tpu.memref_squeeze %swap3A_368 : memref<1x8x2048xf32, #tpu.memory_space<vmem>> -> memref<8x2048xf32, #tpu.memory_space<vmem>>
      %swap3A_370 = arith.index_cast %swap3A_365 : i32 to index
      %swap3A_371 = arith.index_cast %mul3A_364 : i32 to index
      %swap3A_372 = tpu.vector_load %swap3A_369[%swap3A_370, %swap3A_371] {strides = array<i32>} : memref<8x2048xf32, #tpu.memory_space<vmem>>, vector<16xf32>,
      tpu.vector_store %swap3A_369[%swap3A_370, %swap3A_371], %gather3A_362 {strides = array<i32>} : memref<8x2048xf32, #tpu.memory_space<vmem>>, vector<16xf32>,
      %broadcast_in_dim3A_373 = arith.constant 3 : i32
      %broadcast_in_dim3A_374 = vector.broadcast %broadcast_in_dim3A_373 : i32 to vector<16xi32>
      %gather3A_375 = arith.constant 0 : i32
      %gather3A_376 = arith.constant 0 : i32
      %gather3A_377 = tpu.memref_slice %arg7[%scan3A_247, %gather3A_375, %gather3A_376] : memref<2x8x2048xf32, #tpu.memory_space<vmem>> -> memref<1x8x2048xf32, #tpu.memory_space<vmem>>
      %gather3A_378 = tpu.memref_squeeze %gather3A_377 : memref<1x8x2048xf32, #tpu.memory_space<vmem>> -> memref<8x2048xf32, #tpu.memory_space<vmem>>
      %gather3A_379 = tpu.vector_load_idx %gather3A_378[%broadcast_in_dim3A_374, %add3A_322] : memref<8x2048xf32, #tpu.memory_space<vmem>>[vector<16xi32>, vector<16xi32>], vector<16xf32>,
      %mul3A_380 = arith.constant 16 : i32
      %mul3A_381 = arith.muli %scan3A_309, %mul3A_380 : i32
      %swap3A_382 = arith.constant 3 : i32
      %swap3A_383 = arith.constant 0 : i32
      %swap3A_384 = arith.constant 0 : i32
      %swap3A_385 = tpu.memref_slice %arg8[%scan3A_248, %swap3A_383, %swap3A_384] : memref<2x8x2048xf32, #tpu.memory_space<vmem>> -> memref<1x8x2048xf32, #tpu.memory_space<vmem>>
      %swap3A_386 = tpu.memref_squeeze %swap3A_385 : memref<1x8x2048xf32, #tpu.memory_space<vmem>> -> memref<8x2048xf32, #tpu.memory_space<vmem>>
      %swap3A_387 = arith.index_cast %swap3A_382 : i32 to index
      %swap3A_388 = arith.index_cast %mul3A_381 : i32 to index
      %swap3A_389 = tpu.vector_load %swap3A_386[%swap3A_387, %swap3A_388] {strides = array<i32>} : memref<8x2048xf32, #tpu.memory_space<vmem>>, vector<16xf32>,
      tpu.vector_store %swap3A_386[%swap3A_387, %swap3A_388], %gather3A_379 {strides = array<i32>} : memref<8x2048xf32, #tpu.memory_space<vmem>>, vector<16xf32>,
      %broadcast_in_dim3A_390 = arith.constant 4 : i32
      %broadcast_in_dim3A_391 = vector.broadcast %broadcast_in_dim3A_390 : i32 to vector<16xi32>
      %gather3A_392 = arith.constant 0 : i32
      %gather3A_393 = arith.constant 0 : i32
      %gather3A_394 = tpu.memref_slice %arg7[%scan3A_247, %gather3A_392, %gather3A_393] : memref<2x8x2048xf32, #tpu.memory_space<vmem>> -> memref<1x8x2048xf32, #tpu.memory_space<vmem>>
      %gather3A_395 = tpu.memref_squeeze %gather3A_394 : memref<1x8x2048xf32, #tpu.memory_space<vmem>> -> memref<8x2048xf32, #tpu.memory_space<vmem>>
      %gather3A_396 = tpu.vector_load_idx %gather3A_395[%broadcast_in_dim3A_391, %add3A_322] : memref<8x2048xf32, #tpu.memory_space<vmem>>[vector<16xi32>, vector<16xi32>], vector<16xf32>,
      %mul3A_397 = arith.constant 16 : i32
      %mul3A_398 = arith.muli %scan3A_309, %mul3A_397 : i32
      %swap3A_399 = arith.constant 4 : i32
      %swap3A_400 = arith.constant 0 : i32
      %swap3A_401 = arith.constant 0 : i32
      %swap3A_402 = tpu.memref_slice %arg8[%scan3A_248, %swap3A_400, %swap3A_401] : memref<2x8x2048xf32, #tpu.memory_space<vmem>> -> memref<1x8x2048xf32, #tpu.memory_space<vmem>>
      %swap3A_403 = tpu.memref_squeeze %swap3A_402 : memref<1x8x2048xf32, #tpu.memory_space<vmem>> -> memref<8x2048xf32, #tpu.memory_space<vmem>>
      %swap3A_404 = arith.index_cast %swap3A_399 : i32 to index
      %swap3A_405 = arith.index_cast %mul3A_398 : i32 to index
      %swap3A_406 = tpu.vector_load %swap3A_403[%swap3A_404, %swap3A_405] {strides = array<i32>} : memref<8x2048xf32, #tpu.memory_space<vmem>>, vector<16xf32>,
      tpu.vector_store %swap3A_403[%swap3A_404, %swap3A_405], %gather3A_396 {strides = array<i32>} : memref<8x2048xf32, #tpu.memory_space<vmem>>, vector<16xf32>,
      %broadcast_in_dim3A_407 = arith.constant 5 : i32
      %broadcast_in_dim3A_408 = vector.broadcast %broadcast_in_dim3A_407 : i32 to vector<16xi32>
      %gather3A_409 = arith.constant 0 : i32
      %gather3A_410 = arith.constant 0 : i32
      %gather3A_411 = tpu.memref_slice %arg7[%scan3A_247, %gather3A_409, %gather3A_410] : memref<2x8x2048xf32, #tpu.memory_space<vmem>> -> memref<1x8x2048xf32, #tpu.memory_space<vmem>>
      %gather3A_412 = tpu.memref_squeeze %gather3A_411 : memref<1x8x2048xf32, #tpu.memory_space<vmem>> -> memref<8x2048xf32, #tpu.memory_space<vmem>>
      %gather3A_413 = tpu.vector_load_idx %gather3A_412[%broadcast_in_dim3A_408, %add3A_322] : memref<8x2048xf32, #tpu.memory_space<vmem>>[vector<16xi32>, vector<16xi32>], vector<16xf32>,
      %mul3A_414 = arith.constant 16 : i32
      %mul3A_415 = arith.muli %scan3A_309, %mul3A_414 : i32
      %swap3A_416 = arith.constant 5 : i32
      %swap3A_417 = arith.constant 0 : i32
      %swap3A_418 = arith.constant 0 : i32
      %swap3A_419 = tpu.memref_slice %arg8[%scan3A_248, %swap3A_417, %swap3A_418] : memref<2x8x2048xf32, #tpu.memory_space<vmem>> -> memref<1x8x2048xf32, #tpu.memory_space<vmem>>
      %swap3A_420 = tpu.memref_squeeze %swap3A_419 : memref<1x8x2048xf32, #tpu.memory_space<vmem>> -> memref<8x2048xf32, #tpu.memory_space<vmem>>
      %swap3A_421 = arith.index_cast %swap3A_416 : i32 to index
      %swap3A_422 = arith.index_cast %mul3A_415 : i32 to index
      %swap3A_423 = tpu.vector_load %swap3A_420[%swap3A_421, %swap3A_422] {strides = array<i32>} : memref<8x2048xf32, #tpu.memory_space<vmem>>, vector<16xf32>,
      tpu.vector_store %swap3A_420[%swap3A_421, %swap3A_422], %gather3A_413 {strides = array<i32>} : memref<8x2048xf32, #tpu.memory_space<vmem>>, vector<16xf32>,
      %broadcast_in_dim3A_424 = arith.constant 6 : i32
      %broadcast_in_dim3A_425 = vector.broadcast %broadcast_in_dim3A_424 : i32 to vector<16xi32>
      %gather3A_426 = arith.constant 0 : i32
      %gather3A_427 = arith.constant 0 : i32
      %gather3A_428 = tpu.memref_slice %arg7[%scan3A_247, %gather3A_426, %gather3A_427] : memref<2x8x2048xf32, #tpu.memory_space<vmem>> -> memref<1x8x2048xf32, #tpu.memory_space<vmem>>
      %gather3A_429 = tpu.memref_squeeze %gather3A_428 : memref<1x8x2048xf32, #tpu.memory_space<vmem>> -> memref<8x2048xf32, #tpu.memory_space<vmem>>
      %gather3A_430 = tpu.vector_load_idx %gather3A_429[%broadcast_in_dim3A_425, %add3A_322] : memref<8x2048xf32, #tpu.memory_space<vmem>>[vector<16xi32>, vector<16xi32>], vector<16xf32>,
      %mul3A_431 = arith.constant 16 : i32
      %mul3A_432 = arith.muli %scan3A_309, %mul3A_431 : i32
      %swap3A_433 = arith.constant 6 : i32
      %swap3A_434 = arith.constant 0 : i32
      %swap3A_435 = arith.constant 0 : i32
      %swap3A_436 = tpu.memref_slice %arg8[%scan3A_248, %swap3A_434, %swap3A_435] : memref<2x8x2048xf32, #tpu.memory_space<vmem>> -> memref<1x8x2048xf32, #tpu.memory_space<vmem>>
      %swap3A_437 = tpu.memref_squeeze %swap3A_436 : memref<1x8x2048xf32, #tpu.memory_space<vmem>> -> memref<8x2048xf32, #tpu.memory_space<vmem>>
      %swap3A_438 = arith.index_cast %swap3A_433 : i32 to index
      %swap3A_439 = arith.index_cast %mul3A_432 : i32 to index
      %swap3A_440 = tpu.vector_load %swap3A_437[%swap3A_438, %swap3A_439] {strides = array<i32>} : memref<8x2048xf32, #tpu.memory_space<vmem>>, vector<16xf32>,
      tpu.vector_store %swap3A_437[%swap3A_438, %swap3A_439], %gather3A_430 {strides = array<i32>} : memref<8x2048xf32, #tpu.memory_space<vmem>>, vector<16xf32>,
      %broadcast_in_dim3A_441 = arith.constant 7 : i32
      %broadcast_in_dim3A_442 = vector.broadcast %broadcast_in_dim3A_441 : i32 to vector<16xi32>
      %gather3A_443 = arith.constant 0 : i32
      %gather3A_444 = arith.constant 0 : i32
      %gather3A_445 = tpu.memref_slice %arg7[%scan3A_247, %gather3A_443, %gather3A_444] : memref<2x8x2048xf32, #tpu.memory_space<vmem>> -> memref<1x8x2048xf32, #tpu.memory_space<vmem>>
      %gather3A_446 = tpu.memref_squeeze %gather3A_445 : memref<1x8x2048xf32, #tpu.memory_space<vmem>> -> memref<8x2048xf32, #tpu.memory_space<vmem>>
      %gather3A_447 = tpu.vector_load_idx %gather3A_446[%broadcast_in_dim3A_442, %add3A_322] : memref<8x2048xf32, #tpu.memory_space<vmem>>[vector<16xi32>, vector<16xi32>], vector<16xf32>,
      %mul3A_448 = arith.constant 16 : i32
      %mul3A_449 = arith.muli %scan3A_309, %mul3A_448 : i32
      %swap3A_450 = arith.constant 7 : i32
      %swap3A_451 = arith.constant 0 : i32
      %swap3A_452 = arith.constant 0 : i32
      %swap3A_453 = tpu.memref_slice %arg8[%scan3A_248, %swap3A_451, %swap3A_452] : memref<2x8x2048xf32, #tpu.memory_space<vmem>> -> memref<1x8x2048xf32, #tpu.memory_space<vmem>>
      %swap3A_454 = tpu.memref_squeeze %swap3A_453 : memref<1x8x2048xf32, #tpu.memory_space<vmem>> -> memref<8x2048xf32, #tpu.memory_space<vmem>>
      %swap3A_455 = arith.index_cast %swap3A_450 : i32 to index
      %swap3A_456 = arith.index_cast %mul3A_449 : i32 to index
      %swap3A_457 = tpu.vector_load %swap3A_454[%swap3A_455, %swap3A_456] {strides = array<i32>} : memref<8x2048xf32, #tpu.memory_space<vmem>>, vector<16xf32>,
      tpu.vector_store %swap3A_454[%swap3A_455, %swap3A_456], %gather3A_447 {strides = array<i32>} : memref<8x2048xf32, #tpu.memory_space<vmem>>, vector<16xf32>,
      %reduce_max3A = arith.constant true
      %reduce_max3A_458 = vector.broadcast %reduce_max3A : i1 to vector<16xi1>
      %reduce_max3A_459 = arith.constant -2147483648 : i32
      %reduce_max3A_460 = vector.broadcast %reduce_max3A_459 : i32 to vector<16xi32>
      %reduce_max3A_461 = arith.xori %add3A_322, %reduce_max3A_460 : vector<16xi32>
      %reduce_max3A_462 = tpu.scan <max>, %reduce_max3A_461 masked %reduce_max3A_458 : vector<16xi32>, vector<16xi1> -> vector<16xi32>
      %reduce_max3A_463 = arith.xori %reduce_max3A_462, %reduce_max3A_460 : vector<16xi32>
      %reduce_max3A_464 = vector.extract %reduce_max3A_463[15] : i32 from vector<16xi32>
      %scan3A_465 = arith.constant 1 : i32
      %scan3A_466 = arith.addi %scan3A_309, %scan3A_465 : i32
      %mul3A_467 = arith.constant 16 : i32
      %mul3A_468 = arith.muli %scan3A_466, %mul3A_467 : i32
      %get3A_469 = arith.index_cast %mul3A_468 : i32 to index
      %get3A_470 = tpu.vector_load %arg10[%get3A_469] {strides = array<i32>} : memref<2064xi32, #tpu.memory_space<vmem>>, vector<16xi32>,
      %mul3A_471 = arith.constant 16 : i32
      %mul3A_472 = arith.muli %scan3A_466, %mul3A_471 : i32
      %swap3A_473 = arith.index_cast %mul3A_472 : i32 to index
      %swap3A_474 = tpu.vector_load %arg10[%swap3A_473] {strides = array<i32>} : memref<2064xi32, #tpu.memory_space<vmem>>, vector<16xi32>,
      tpu.vector_store %arg10[%swap3A_473], %broadcast_in_dim3A_5 {strides = array<i32>} : memref<2064xi32, #tpu.memory_space<vmem>>, vector<16xi32>,
      %broadcast_in_dim3A_475 = arith.constant true
      %broadcast_in_dim3A_476 = vector.broadcast %broadcast_in_dim3A_475 : i1 to vector<16xi1>
      %masked_cumsum3A_477 = tpu.scan <sum>, %get3A_470 masked %broadcast_in_dim3A_476 : vector<16xi32>, vector<16xi1> -> vector<16xi32>
      %add3A_478 = vector.broadcast %reduce_max3A_464 : i32 to vector<16xi32>
      %add3A_479 = arith.addi %masked_cumsum3A_477, %add3A_478 : vector<16xi32>
      %broadcast_in_dim3A_480 = arith.constant 0 : i32
      %broadcast_in_dim3A_481 = vector.broadcast %broadcast_in_dim3A_480 : i32 to vector<16xi32>
      %gather3A_482 = arith.constant 0 : i32
      %gather3A_483 = arith.constant 0 : i32
      %gather3A_484 = tpu.memref_slice %arg7[%scan3A_247, %gather3A_482, %gather3A_483] : memref<2x8x2048xf32, #tpu.memory_space<vmem>> -> memref<1x8x2048xf32, #tpu.memory_space<vmem>>
      %gather3A_485 = tpu.memref_squeeze %gather3A_484 : memref<1x8x2048xf32, #tpu.memory_space<vmem>> -> memref<8x2048xf32, #tpu.memory_space<vmem>>
      %gather3A_486 = tpu.vector_load_idx %gather3A_485[%broadcast_in_dim3A_481, %add3A_479] : memref<8x2048xf32, #tpu.memory_space<vmem>>[vector<16xi32>, vector<16xi32>], vector<16xf32>,
      %mul3A_487 = arith.constant 16 : i32
      %mul3A_488 = arith.muli %scan3A_466, %mul3A_487 : i32
      %swap3A_489 = arith.constant 0 : i32
      %swap3A_490 = arith.constant 0 : i32
      %swap3A_491 = arith.constant 0 : i32
      %swap3A_492 = tpu.memref_slice %arg8[%scan3A_248, %swap3A_490, %swap3A_491] : memref<2x8x2048xf32, #tpu.memory_space<vmem>> -> memref<1x8x2048xf32, #tpu.memory_space<vmem>>
      %swap3A_493 = tpu.memref_squeeze %swap3A_492 : memref<1x8x2048xf32, #tpu.memory_space<vmem>> -> memref<8x2048xf32, #tpu.memory_space<vmem>>
      %swap3A_494 = arith.index_cast %swap3A_489 : i32 to index
      %swap3A_495 = arith.index_cast %mul3A_488 : i32 to index
      %swap3A_496 = tpu.vector_load %swap3A_493[%swap3A_494, %swap3A_495] {strides = array<i32>} : memref<8x2048xf32, #tpu.memory_space<vmem>>, vector<16xf32>,
      tpu.vector_store %swap3A_493[%swap3A_494, %swap3A_495], %gather3A_486 {strides = array<i32>} : memref<8x2048xf32, #tpu.memory_space<vmem>>, vector<16xf32>,
      %broadcast_in_dim3A_497 = arith.constant 1 : i32
      %broadcast_in_dim3A_498 = vector.broadcast %broadcast_in_dim3A_497 : i32 to vector<16xi32>
      %gather3A_499 = arith.constant 0 : i32
      %gather3A_500 = arith.constant 0 : i32
      %gather3A_501 = tpu.memref_slice %arg7[%scan3A_247, %gather3A_499, %gather3A_500] : memref<2x8x2048xf32, #tpu.memory_space<vmem>> -> memref<1x8x2048xf32, #tpu.memory_space<vmem>>
      %gather3A_502 = tpu.memref_squeeze %gather3A_501 : memref<1x8x2048xf32, #tpu.memory_space<vmem>> -> memref<8x2048xf32, #tpu.memory_space<vmem>>
      %gather3A_503 = tpu.vector_load_idx %gather3A_502[%broadcast_in_dim3A_498, %add3A_479] : memref<8x2048xf32, #tpu.memory_space<vmem>>[vector<16xi32>, vector<16xi32>], vector<16xf32>,
      %mul3A_504 = arith.constant 16 : i32
      %mul3A_505 = arith.muli %scan3A_466, %mul3A_504 : i32
      %swap3A_506 = arith.constant 1 : i32
      %swap3A_507 = arith.constant 0 : i32
      %swap3A_508 = arith.constant 0 : i32
      %swap3A_509 = tpu.memref_slice %arg8[%scan3A_248, %swap3A_507, %swap3A_508] : memref<2x8x2048xf32, #tpu.memory_space<vmem>> -> memref<1x8x2048xf32, #tpu.memory_space<vmem>>
      %swap3A_510 = tpu.memref_squeeze %swap3A_509 : memref<1x8x2048xf32, #tpu.memory_space<vmem>> -> memref<8x2048xf32, #tpu.memory_space<vmem>>
      %swap3A_511 = arith.index_cast %swap3A_506 : i32 to index
      %swap3A_512 = arith.index_cast %mul3A_505 : i32 to index
      %swap3A_513 = tpu.vector_load %swap3A_510[%swap3A_511, %swap3A_512] {strides = array<i32>} : memref<8x2048xf32, #tpu.memory_space<vmem>>, vector<16xf32>,
      tpu.vector_store %swap3A_510[%swap3A_511, %swap3A_512], %gather3A_503 {strides = array<i32>} : memref<8x2048xf32, #tpu.memory_space<vmem>>, vector<16xf32>,
      %broadcast_in_dim3A_514 = arith.constant 2 : i32
      %broadcast_in_dim3A_515 = vector.broadcast %broadcast_in_dim3A_514 : i32 to vector<16xi32>
      %gather3A_516 = arith.constant 0 : i32
      %gather3A_517 = arith.constant 0 : i32
      %gather3A_518 = tpu.memref_slice %arg7[%scan3A_247, %gather3A_516, %gather3A_517] : memref<2x8x2048xf32, #tpu.memory_space<vmem>> -> memref<1x8x2048xf32, #tpu.memory_space<vmem>>
      %gather3A_519 = tpu.memref_squeeze %gather3A_518 : memref<1x8x2048xf32, #tpu.memory_space<vmem>> -> memref<8x2048xf32, #tpu.memory_space<vmem>>
      %gather3A_520 = tpu.vector_load_idx %gather3A_519[%broadcast_in_dim3A_515, %add3A_479] : memref<8x2048xf32, #tpu.memory_space<vmem>>[vector<16xi32>, vector<16xi32>], vector<16xf32>,
      %mul3A_521 = arith.constant 16 : i32
      %mul3A_522 = arith.muli %scan3A_466, %mul3A_521 : i32
      %swap3A_523 = arith.constant 2 : i32
      %swap3A_524 = arith.constant 0 : i32
      %swap3A_525 = arith.constant 0 : i32
      %swap3A_526 = tpu.memref_slice %arg8[%scan3A_248, %swap3A_524, %swap3A_525] : memref<2x8x2048xf32, #tpu.memory_space<vmem>> -> memref<1x8x2048xf32, #tpu.memory_space<vmem>>
      %swap3A_527 = tpu.memref_squeeze %swap3A_526 : memref<1x8x2048xf32, #tpu.memory_space<vmem>> -> memref<8x2048xf32, #tpu.memory_space<vmem>>
      %swap3A_528 = arith.index_cast %swap3A_523 : i32 to index
      %swap3A_529 = arith.index_cast %mul3A_522 : i32 to index
      %swap3A_530 = tpu.vector_load %swap3A_527[%swap3A_528, %swap3A_529] {strides = array<i32>} : memref<8x2048xf32, #tpu.memory_space<vmem>>, vector<16xf32>,
      tpu.vector_store %swap3A_527[%swap3A_528, %swap3A_529], %gather3A_520 {strides = array<i32>} : memref<8x2048xf32, #tpu.memory_space<vmem>>, vector<16xf32>,
      %broadcast_in_dim3A_531 = arith.constant 3 : i32
      %broadcast_in_dim3A_532 = vector.broadcast %broadcast_in_dim3A_531 : i32 to vector<16xi32>
      %gather3A_533 = arith.constant 0 : i32
      %gather3A_534 = arith.constant 0 : i32
      %gather3A_535 = tpu.memref_slice %arg7[%scan3A_247, %gather3A_533, %gather3A_534] : memref<2x8x2048xf32, #tpu.memory_space<vmem>> -> memref<1x8x2048xf32, #tpu.memory_space<vmem>>
      %gather3A_536 = tpu.memref_squeeze %gather3A_535 : memref<1x8x2048xf32, #tpu.memory_space<vmem>> -> memref<8x2048xf32, #tpu.memory_space<vmem>>
      %gather3A_537 = tpu.vector_load_idx %gather3A_536[%broadcast_in_dim3A_532, %add3A_479] : memref<8x2048xf32, #tpu.memory_space<vmem>>[vector<16xi32>, vector<16xi32>], vector<16xf32>,
      %mul3A_538 = arith.constant 16 : i32
      %mul3A_539 = arith.muli %scan3A_466, %mul3A_538 : i32
      %swap3A_540 = arith.constant 3 : i32
      %swap3A_541 = arith.constant 0 : i32
      %swap3A_542 = arith.constant 0 : i32
      %swap3A_543 = tpu.memref_slice %arg8[%scan3A_248, %swap3A_541, %swap3A_542] : memref<2x8x2048xf32, #tpu.memory_space<vmem>> -> memref<1x8x2048xf32, #tpu.memory_space<vmem>>
      %swap3A_544 = tpu.memref_squeeze %swap3A_543 : memref<1x8x2048xf32, #tpu.memory_space<vmem>> -> memref<8x2048xf32, #tpu.memory_space<vmem>>
      %swap3A_545 = arith.index_cast %swap3A_540 : i32 to index
      %swap3A_546 = arith.index_cast %mul3A_539 : i32 to index
      %swap3A_547 = tpu.vector_load %swap3A_544[%swap3A_545, %swap3A_546] {strides = array<i32>} : memref<8x2048xf32, #tpu.memory_space<vmem>>, vector<16xf32>,
      tpu.vector_store %swap3A_544[%swap3A_545, %swap3A_546], %gather3A_537 {strides = array<i32>} : memref<8x2048xf32, #tpu.memory_space<vmem>>, vector<16xf32>,
      %broadcast_in_dim3A_548 = arith.constant 4 : i32
      %broadcast_in_dim3A_549 = vector.broadcast %broadcast_in_dim3A_548 : i32 to vector<16xi32>
      %gather3A_550 = arith.constant 0 : i32
      %gather3A_551 = arith.constant 0 : i32
      %gather3A_552 = tpu.memref_slice %arg7[%scan3A_247, %gather3A_550, %gather3A_551] : memref<2x8x2048xf32, #tpu.memory_space<vmem>> -> memref<1x8x2048xf32, #tpu.memory_space<vmem>>
      %gather3A_553 = tpu.memref_squeeze %gather3A_552 : memref<1x8x2048xf32, #tpu.memory_space<vmem>> -> memref<8x2048xf32, #tpu.memory_space<vmem>>
      %gather3A_554 = tpu.vector_load_idx %gather3A_553[%broadcast_in_dim3A_549, %add3A_479] : memref<8x2048xf32, #tpu.memory_space<vmem>>[vector<16xi32>, vector<16xi32>], vector<16xf32>,
      %mul3A_555 = arith.constant 16 : i32
      %mul3A_556 = arith.muli %scan3A_466, %mul3A_555 : i32
      %swap3A_557 = arith.constant 4 : i32
      %swap3A_558 = arith.constant 0 : i32
      %swap3A_559 = arith.constant 0 : i32
      %swap3A_560 = tpu.memref_slice %arg8[%scan3A_248, %swap3A_558, %swap3A_559] : memref<2x8x2048xf32, #tpu.memory_space<vmem>> -> memref<1x8x2048xf32, #tpu.memory_space<vmem>>
      %swap3A_561 = tpu.memref_squeeze %swap3A_560 : memref<1x8x2048xf32, #tpu.memory_space<vmem>> -> memref<8x2048xf32, #tpu.memory_space<vmem>>
      %swap3A_562 = arith.index_cast %swap3A_557 : i32 to index
      %swap3A_563 = arith.index_cast %mul3A_556 : i32 to index
      %swap3A_564 = tpu.vector_load %swap3A_561[%swap3A_562, %swap3A_563] {strides = array<i32>} : memref<8x2048xf32, #tpu.memory_space<vmem>>, vector<16xf32>,
      tpu.vector_store %swap3A_561[%swap3A_562, %swap3A_563], %gather3A_554 {strides = array<i32>} : memref<8x2048xf32, #tpu.memory_space<vmem>>, vector<16xf32>,
      %broadcast_in_dim3A_565 = arith.constant 5 : i32
      %broadcast_in_dim3A_566 = vector.broadcast %broadcast_in_dim3A_565 : i32 to vector<16xi32>
      %gather3A_567 = arith.constant 0 : i32
      %gather3A_568 = arith.constant 0 : i32
      %gather3A_569 = tpu.memref_slice %arg7[%scan3A_247, %gather3A_567, %gather3A_568] : memref<2x8x2048xf32, #tpu.memory_space<vmem>> -> memref<1x8x2048xf32, #tpu.memory_space<vmem>>
      %gather3A_570 = tpu.memref_squeeze %gather3A_569 : memref<1x8x2048xf32, #tpu.memory_space<vmem>> -> memref<8x2048xf32, #tpu.memory_space<vmem>>
      %gather3A_571 = tpu.vector_load_idx %gather3A_570[%broadcast_in_dim3A_566, %add3A_479] : memref<8x2048xf32, #tpu.memory_space<vmem>>[vector<16xi32>, vector<16xi32>], vector<16xf32>,
      %mul3A_572 = arith.constant 16 : i32
      %mul3A_573 = arith.muli %scan3A_466, %mul3A_572 : i32
      %swap3A_574 = arith.constant 5 : i32
      %swap3A_575 = arith.constant 0 : i32
      %swap3A_576 = arith.constant 0 : i32
      %swap3A_577 = tpu.memref_slice %arg8[%scan3A_248, %swap3A_575, %swap3A_576] : memref<2x8x2048xf32, #tpu.memory_space<vmem>> -> memref<1x8x2048xf32, #tpu.memory_space<vmem>>
      %swap3A_578 = tpu.memref_squeeze %swap3A_577 : memref<1x8x2048xf32, #tpu.memory_space<vmem>> -> memref<8x2048xf32, #tpu.memory_space<vmem>>
      %swap3A_579 = arith.index_cast %swap3A_574 : i32 to index
      %swap3A_580 = arith.index_cast %mul3A_573 : i32 to index
      %swap3A_581 = tpu.vector_load %swap3A_578[%swap3A_579, %swap3A_580] {strides = array<i32>} : memref<8x2048xf32, #tpu.memory_space<vmem>>, vector<16xf32>,
      tpu.vector_store %swap3A_578[%swap3A_579, %swap3A_580], %gather3A_571 {strides = array<i32>} : memref<8x2048xf32, #tpu.memory_space<vmem>>, vector<16xf32>,
      %broadcast_in_dim3A_582 = arith.constant 6 : i32
      %broadcast_in_dim3A_583 = vector.broadcast %broadcast_in_dim3A_582 : i32 to vector<16xi32>
      %gather3A_584 = arith.constant 0 : i32
      %gather3A_585 = arith.constant 0 : i32
      %gather3A_586 = tpu.memref_slice %arg7[%scan3A_247, %gather3A_584, %gather3A_585] : memref<2x8x2048xf32, #tpu.memory_space<vmem>> -> memref<1x8x2048xf32, #tpu.memory_space<vmem>>
      %gather3A_587 = tpu.memref_squeeze %gather3A_586 : memref<1x8x2048xf32, #tpu.memory_space<vmem>> -> memref<8x2048xf32, #tpu.memory_space<vmem>>
      %gather3A_588 = tpu.vector_load_idx %gather3A_587[%broadcast_in_dim3A_583, %add3A_479] : memref<8x2048xf32, #tpu.memory_space<vmem>>[vector<16xi32>, vector<16xi32>], vector<16xf32>,
      %mul3A_589 = arith.constant 16 : i32
      %mul3A_590 = arith.muli %scan3A_466, %mul3A_589 : i32
      %swap3A_591 = arith.constant 6 : i32
      %swap3A_592 = arith.constant 0 : i32
      %swap3A_593 = arith.constant 0 : i32
      %swap3A_594 = tpu.memref_slice %arg8[%scan3A_248, %swap3A_592, %swap3A_593] : memref<2x8x2048xf32, #tpu.memory_space<vmem>> -> memref<1x8x2048xf32, #tpu.memory_space<vmem>>
      %swap3A_595 = tpu.memref_squeeze %swap3A_594 : memref<1x8x2048xf32, #tpu.memory_space<vmem>> -> memref<8x2048xf32, #tpu.memory_space<vmem>>
      %swap3A_596 = arith.index_cast %swap3A_591 : i32 to index
      %swap3A_597 = arith.index_cast %mul3A_590 : i32 to index
      %swap3A_598 = tpu.vector_load %swap3A_595[%swap3A_596, %swap3A_597] {strides = array<i32>} : memref<8x2048xf32, #tpu.memory_space<vmem>>, vector<16xf32>,
      tpu.vector_store %swap3A_595[%swap3A_596, %swap3A_597], %gather3A_588 {strides = array<i32>} : memref<8x2048xf32, #tpu.memory_space<vmem>>, vector<16xf32>,
      %broadcast_in_dim3A_599 = arith.constant 7 : i32
      %broadcast_in_dim3A_600 = vector.broadcast %broadcast_in_dim3A_599 : i32 to vector<16xi32>
      %gather3A_601 = arith.constant 0 : i32
      %gather3A_602 = arith.constant 0 : i32
      %gather3A_603 = tpu.memref_slice %arg7[%scan3A_247, %gather3A_601, %gather3A_602] : memref<2x8x2048xf32, #tpu.memory_space<vmem>> -> memref<1x8x2048xf32, #tpu.memory_space<vmem>>
      %gather3A_604 = tpu.memref_squeeze %gather3A_603 : memref<1x8x2048xf32, #tpu.memory_space<vmem>> -> memref<8x2048xf32, #tpu.memory_space<vmem>>
      %gather3A_605 = tpu.vector_load_idx %gather3A_604[%broadcast_in_dim3A_600, %add3A_479] : memref<8x2048xf32, #tpu.memory_space<vmem>>[vector<16xi32>, vector<16xi32>], vector<16xf32>,
      %mul3A_606 = arith.constant 16 : i32
      %mul3A_607 = arith.muli %scan3A_466, %mul3A_606 : i32
      %swap3A_608 = arith.constant 7 : i32
      %swap3A_609 = arith.constant 0 : i32
      %swap3A_610 = arith.constant 0 : i32
      %swap3A_611 = tpu.memref_slice %arg8[%scan3A_248, %swap3A_609, %swap3A_610] : memref<2x8x2048xf32, #tpu.memory_space<vmem>> -> memref<1x8x2048xf32, #tpu.memory_space<vmem>>
      %swap3A_612 = tpu.memref_squeeze %swap3A_611 : memref<1x8x2048xf32, #tpu.memory_space<vmem>> -> memref<8x2048xf32, #tpu.memory_space<vmem>>
      %swap3A_613 = arith.index_cast %swap3A_608 : i32 to index
      %swap3A_614 = arith.index_cast %mul3A_607 : i32 to index
      %swap3A_615 = tpu.vector_load %swap3A_612[%swap3A_613, %swap3A_614] {strides = array<i32>} : memref<8x2048xf32, #tpu.memory_space<vmem>>, vector<16xf32>,
      tpu.vector_store %swap3A_612[%swap3A_613, %swap3A_614], %gather3A_605 {strides = array<i32>} : memref<8x2048xf32, #tpu.memory_space<vmem>>, vector<16xf32>,
      %reduce_max3A_616 = arith.constant true
      %reduce_max3A_617 = vector.broadcast %reduce_max3A_616 : i1 to vector<16xi1>
      %reduce_max3A_618 = arith.constant -2147483648 : i32
      %reduce_max3A_619 = vector.broadcast %reduce_max3A_618 : i32 to vector<16xi32>
      %reduce_max3A_620 = arith.xori %add3A_479, %reduce_max3A_619 : vector<16xi32>
      %reduce_max3A_621 = tpu.scan <max>, %reduce_max3A_620 masked %reduce_max3A_617 : vector<16xi32>, vector<16xi1> -> vector<16xi32>
      %reduce_max3A_622 = arith.xori %reduce_max3A_621, %reduce_max3A_619 : vector<16xi32>
      %reduce_max3A_623 = vector.extract %reduce_max3A_622[15] : i32 from vector<16xi32>
      scf.yield %reduce_max3A_623 : i32
    }
    %scan3A_255 = arith.constant 128 : i32
    %add3A_256 = arith.constant 1 : i32
    %add3A_257 = arith.addi %mul3A_2, %add3A_256 : i32
    %dma_start3A_258 = arith.constant 1 : i32
    %dma_start3A_259 = arith.constant 0 : i32
    %dma_start3A_260 = arith.constant 0 : i32
    %dma_start3A_261 = tpu.memref_slice %arg8[%dma_start3A_258, %dma_start3A_259, %dma_start3A_260] : memref<2x8x2048xf32, #tpu.memory_space<vmem>> -> memref<1x8x2048xf32, #tpu.memory_space<vmem>>
    %dma_start3A_262 = tpu.memref_squeeze %dma_start3A_261 : memref<1x8x2048xf32, #tpu.memory_space<vmem>> -> memref<8x2048xf32, #tpu.memory_space<vmem>>
    %dma_start3A_263 = arith.constant 0 : i32
    %dma_start3A_264 = arith.constant 0 : i32
    %dma_start3A_265 = tpu.memref_slice %arg5[%add3A_257, %dma_start3A_263, %dma_start3A_264] : memref<64x8x2048xf32, #tpu.memory_space<hbm>> -> memref<1x8x2048xf32, #tpu.memory_space<hbm>>
    %dma_start3A_266 = tpu.memref_squeeze %dma_start3A_265 : memref<1x8x2048xf32, #tpu.memory_space<hbm>> -> memref<8x2048xf32, #tpu.memory_space<hbm>>
    %dma_start3A_267 = arith.constant 0 : i32
    %dma_start3A_268 = arith.constant 0 : i32
    %dma_start3A_269 = tpu.memref_slice %arg5[%add3A_257, %dma_start3A_267, %dma_start3A_268] : memref<64x8x2048xf32, #tpu.memory_space<hbm>> -> memref<1x8x2048xf32, #tpu.memory_space<hbm>>
    %dma_start3A_270 = tpu.memref_squeeze %dma_start3A_269 : memref<1x8x2048xf32, #tpu.memory_space<hbm>> -> memref<8x2048xf32, #tpu.memory_space<hbm>>
    %dma_start3A_271 = arith.constant 0 : i32
    %dma_start3A_272 = arith.constant 0 : i32
    %dma_start3A_273 = tpu.memref_slice %arg8[%dma_start3A_258, %dma_start3A_271, %dma_start3A_272] : memref<2x8x2048xf32, #tpu.memory_space<vmem>> -> memref<1x8x2048xf32, #tpu.memory_space<vmem>>
    %dma_start3A_274 = tpu.memref_squeeze %dma_start3A_273 : memref<1x8x2048xf32, #tpu.memory_space<vmem>> -> memref<8x2048xf32, #tpu.memory_space<vmem>>
    tpu.enqueue_dma source(%dma_start3A_274 : memref<8x2048xf32, #tpu.memory_space<vmem>>) target(%dma_start3A_270 : memref<8x2048xf32, #tpu.memory_space<hbm>>) target_semaphore(%arg13 : memref<!tpu.dma_semaphore, #tpu.memory_space<semaphore_mem>>)
    %dma_wait3A_275 = arith.constant 0 : i32
    %dma_wait3A_276 = arith.constant 0 : i32
    %dma_wait3A_277 = arith.constant 0 : i32
    %dma_wait3A_278 = tpu.memref_slice %arg8[%dma_wait3A_275, %dma_wait3A_276, %dma_wait3A_277] : memref<2x8x2048xf32, #tpu.memory_space<vmem>> -> memref<1x8x2048xf32, #tpu.memory_space<vmem>>
    %dma_wait3A_279 = tpu.memref_squeeze %dma_wait3A_278 : memref<1x8x2048xf32, #tpu.memory_space<vmem>> -> memref<8x2048xf32, #tpu.memory_space<vmem>>
    %dma_wait3A_280 = arith.constant 0 : i32
    %dma_wait3A_281 = arith.constant 0 : i32
    %dma_wait3A_282 = tpu.memref_slice %arg5[%add3A_175, %dma_wait3A_280, %dma_wait3A_281] : memref<64x8x2048xf32, #tpu.memory_space<hbm>> -> memref<1x8x2048xf32, #tpu.memory_space<hbm>>
    %dma_wait3A_283 = tpu.memref_squeeze %dma_wait3A_282 : memref<1x8x2048xf32, #tpu.memory_space<hbm>> -> memref<8x2048xf32, #tpu.memory_space<hbm>>
    %dma_wait3A_284 = arith.constant 0 : i32
    %dma_wait3A_285 = arith.constant 0 : i32
    %dma_wait3A_286 = tpu.memref_slice %arg5[%add3A_175, %dma_wait3A_284, %dma_wait3A_285] : memref<64x8x2048xf32, #tpu.memory_space<hbm>> -> memref<1x8x2048xf32, #tpu.memory_space<hbm>>
    %dma_wait3A_287 = tpu.memref_squeeze %dma_wait3A_286 : memref<1x8x2048xf32, #tpu.memory_space<hbm>> -> memref<8x2048xf32, #tpu.memory_space<hbm>>
    %dma_wait3A_288 = arith.constant 0 : i32
    %dma_wait3A_289 = arith.constant 0 : i32
    %dma_wait3A_290 = tpu.memref_slice %arg8[%dma_wait3A_275, %dma_wait3A_288, %dma_wait3A_289] : memref<2x8x2048xf32, #tpu.memory_space<vmem>> -> memref<1x8x2048xf32, #tpu.memory_space<vmem>>
    %dma_wait3A_291 = tpu.memref_squeeze %dma_wait3A_290 : memref<1x8x2048xf32, #tpu.memory_space<vmem>> -> memref<8x2048xf32, #tpu.memory_space<vmem>>
    tpu.wait_dma2 semaphore(%arg13 : memref<!tpu.dma_semaphore, #tpu.memory_space<semaphore_mem>>) src(%dma_wait3A_291 : memref<8x2048xf32, #tpu.memory_space<vmem>>) dst(%dma_wait3A_287 : memref<8x2048xf32, #tpu.memory_space<hbm>>)
    %dma_wait3A_292 = arith.constant 1 : i32
    %dma_wait3A_293 = arith.constant 0 : i32
    %dma_wait3A_294 = arith.constant 0 : i32
    %dma_wait3A_295 = tpu.memref_slice %arg8[%dma_wait3A_292, %dma_wait3A_293, %dma_wait3A_294] : memref<2x8x2048xf32, #tpu.memory_space<vmem>> -> memref<1x8x2048xf32, #tpu.memory_space<vmem>>
    %dma_wait3A_296 = tpu.memref_squeeze %dma_wait3A_295 : memref<1x8x2048xf32, #tpu.memory_space<vmem>> -> memref<8x2048xf32, #tpu.memory_space<vmem>>
    %dma_wait3A_297 = arith.constant 0 : i32
    %dma_wait3A_298 = arith.constant 0 : i32
    %dma_wait3A_299 = tpu.memref_slice %arg5[%add3A_257, %dma_wait3A_297, %dma_wait3A_298] : memref<64x8x2048xf32, #tpu.memory_space<hbm>> -> memref<1x8x2048xf32, #tpu.memory_space<hbm>>
    %dma_wait3A_300 = tpu.memref_squeeze %dma_wait3A_299 : memref<1x8x2048xf32, #tpu.memory_space<hbm>> -> memref<8x2048xf32, #tpu.memory_space<hbm>>
    %dma_wait3A_301 = arith.constant 0 : i32
    %dma_wait3A_302 = arith.constant 0 : i32
    %dma_wait3A_303 = tpu.memref_slice %arg5[%add3A_257, %dma_wait3A_301, %dma_wait3A_302] : memref<64x8x2048xf32, #tpu.memory_space<hbm>> -> memref<1x8x2048xf32, #tpu.memory_space<hbm>>
    %dma_wait3A_304 = tpu.memref_squeeze %dma_wait3A_303 : memref<1x8x2048xf32, #tpu.memory_space<hbm>> -> memref<8x2048xf32, #tpu.memory_space<hbm>>
    %dma_wait3A_305 = arith.constant 0 : i32
    %dma_wait3A_306 = arith.constant 0 : i32
    %dma_wait3A_307 = tpu.memref_slice %arg8[%dma_wait3A_292, %dma_wait3A_305, %dma_wait3A_306] : memref<2x8x2048xf32, #tpu.memory_space<vmem>> -> memref<1x8x2048xf32, #tpu.memory_space<vmem>>
    %dma_wait3A_308 = tpu.memref_squeeze %dma_wait3A_307 : memref<1x8x2048xf32, #tpu.memory_space<vmem>> -> memref<8x2048xf32, #tpu.memory_space<vmem>>
    tpu.wait_dma2 semaphore(%arg13 : memref<!tpu.dma_semaphore, #tpu.memory_space<semaphore_mem>>) src(%dma_wait3A_308 : memref<8x2048xf32, #tpu.memory_space<vmem>>) dst(%dma_wait3A_304 : memref<8x2048xf32, #tpu.memory_space<hbm>>)
    return
  }
}

</mosaic_0001>

<sc_bundles>
// kernel: closed_call.22.cloned.1.call-start
scs
__scs_entry_jumppad:
0x0: {  	(pc) =	sbr.rel $0x88, $3  }
0x1: {  	(tag) =	ssettag $0x0;
	lr =	simm.s32 $0x1  }
0x2: {  	[smem:$0x3F98] =	sst lr;
	_ =	strace $0xD0000000  }
0x3: {  	_ = 	snop  }
0x4: {  	_ = 	snop  }
0x5: {  	_ = 	snop  }
0x6: {  	_ = 	snop  }
0x7: {  	_ = 	snop  }
__scs_overlays_trampoline_lowered:
0x8: {  	[smem:$0x3FA7] =	sst s0  }
0x9: {  	[smem:$0x3FA8] =	sst s1  }
0xa: {  	[smem:$0x3FA9] =	sst s2  }
0xb: {  	[smem:$0x3FAA] =	sst s3  }
0xc: {  	[smem:$0x3FAB] =	sst s4  }
0xd: {  	[smem:$0x3FAC] =	sst s5  }
0xe: {  	[smem:$0x3FAD] =	sst s6  }
0xf: {  	[smem:$0x3FAE] =	sst s7  }
0x10: {  	[smem:$0x3FAF] =	sst s8  }
0x11: {  	[smem:$0x3FB0] =	sst s9;
	s0 =	simm.s32 @!p0 $0x0  }
0x12: {  	s1 =	sld [smem:$0x3F96];
	s0 =	simm.s32 @p0 $0x1  }
0x13: {  	[smem:$0x3FB1] =	sst s0;
	s0 =	simm.s32 @!p1 $0x0  }
0x14: {  	s2 =	sld [smem:$0x3F95];
	s0 =	simm.s32 @p1 $0x1  }
0x15: {  	[smem:$0x3FB2] =	sst s0;
	s0 =	simm.s32 @!p2 $0x0  }
0x16: {  	s3 =	sld [smem:$0x3FDB];
	s0 =	simm.s32 @p2 $0x1  }
0x17: {  	s4 =	simm.s32 $0x1BF5;
	[smem:$0x3FB4] =	sst s0  }
0x18: {  	s0 =	sld [smem:$0x3F97];
	_ =	swait.ge [sflag:s4], $0x0  }
0x19: {  	s7 =	sld [smem:$0x3F98]  }
0x1a: {  	s8 =	sadd.s32 $0xFFFFE003, lr  }
0x1b: {  	s9 =	sadd.s32 $0xFFFFFEF7, lr;
	s5 =	simm.s32 $0xFFFFFFFF;
	p2 =	slt.u32 s8, $0xFFFFF086  }
0x1c: {  	p1 =	slt.u32 s9, $0xF7A;
	s5 =	simm.s32 @!p2 $0x0  }
0x1d: {  	s5 =	simm.s32 @p1 $0x1;
	p0 =	seq.s32 s7, s2  }
0x1e: {  	s7 =	smul.u32 @!p0 $0xF7A, s2;
	p2 =	seq.s32 @!p0 s5, $0x0  }
0x1f: {  	s9 =	smul.u32 $0xF7A, s1;
	s8 =	simm.s32 @!p0 $0x1BF5;
	p2 =	por !p2, p0  }
0x20: {  	[sflag:s8] =	ssyncset.s32 @!p0 $0xFFFFF086;
	s6 =	sadd.s32 @!p0 s3, s7;
	s7 =	simm.s32 @!p0 $0x108  }
0x21: {  	s3 =	sadd.s32 s3, s9;
	s6 =	sadd.s32 @!p0 $0x88, s6;
	s7 =	simm.s32 @p2 $0x1082  }
0x22: {  	[simem:s7], [sflag:s8] =	dma.local @!p0 [hbm:s6], $0xF7A  }
0x23: {  	s9 =	sor.u32 $0xD0000000, s2;
	s6 =	simm.s32 $0x108;
	_ =	swait.ge @!p0 [sflag:s8], $0x0  }
0x24: {  	s3 =	sadd.s32 $0x88, s3;
	s6 =	simm.s32 @!p1 $0x1082;
	[sflag:s4] =	ssyncset.s32 $0xFFFFF086  }
0x25: {  	[simem:s6], [sflag:s4] =	dma.local [hbm:s3], $0xF7A  }
0x26: {  	[smem:$0x3F98] =	sst s1;
	(tag) =	ssettag s2;
	_ =	strace s9  }
0x27: {  	s1 =	sld [smem:$0x3FA8]  }
0x28: {  	s2 =	sld [smem:$0x3FA9]  }
0x29: {  	s4 =	sld [smem:$0x3FAB]  }
0x2a: {  	p0 =	seq.s32 s5, $0x0;
	s5 =	sld [smem:$0x3FAC]  }
0x2b: {  	s6 =	sld [smem:$0x3FAD]  }
0x2c: {  	s7 =	sld [smem:$0x3FAE]  }
0x2d: {  	s3 =	simm.s32 $0x108;
	s8 =	sld [smem:$0x3FAF]  }
0x2e: {  	s3 =	simm.s32 @!p0 $0x1082;
	s9 =	sld [smem:$0x3FB0]  }
0x2f: {  	lr =	sadd.s32 s0, s3;
	s0 =	sld [smem:$0x3FA7]  }
0x30: {  	s3 =	sld [smem:$0x3FAA]  }
0x31: {  	[smem:$0x3FB3] =	sst s10  }
0x32: {  	s10 =	sld [smem:$0x3FB1];
	_ =	sdelay $0x3  }
0x33: {  	p0 =	seq.s32 s10, $0x1;
	s10 =	sld [smem:$0x3FB3];
	_ =	sdelay $0x3  }
0x34: {  	[smem:$0x3FB3] =	sst s10  }
0x35: {  	s10 =	sld [smem:$0x3FB2];
	_ =	sdelay $0x3  }
0x36: {  	p1 =	seq.s32 s10, $0x1;
	s10 =	sld [smem:$0x3FB3];
	_ =	sdelay $0x3  }
0x37: {  	[smem:$0x3FB3] =	sst s10  }
0x38: {  	s10 =	sld [smem:$0x3FB4]  }
0x39: {  	_ = 	snop;
	(pc) =	sbr.ind lr, $3  }
0x3a: {  	_ = 	snop  }
0x3b: {  	_ = 	snop  }
0x3c: {  	p2 =	seq.s32 s10, $0x1;
	s10 =	sld [smem:$0x3FB3]  }
0x3d: {  	_ =	shalt  }
0x3e: {  	_ =	shalt  }
0x3f: {  	_ =	shalt  }
0x40: {  	_ =	shalt  }
0x41: {  	_ =	shalt  }
0x42: {  	_ =	shalt  }
0x43: {  	_ =	shalt  }
0x44: {  	_ =	shalt  }
0x45: {  	_ =	shalt  }
0x46: {  	_ =	shalt  }
0x47: {  	_ =	shalt  }
0x48: {  	_ =	shalt  }
0x49: {  	_ =	shalt  }
0x4a: {  	_ =	shalt  }
0x4b: {  	_ =	shalt  }
0x4c: {  	_ =	shalt  }
0x4d: {  	_ =	shalt  }
0x4e: {  	_ =	shalt  }
0x4f: {  	_ =	shalt  }
0x50: {  	_ =	shalt  }
0x51: {  	_ =	shalt  }
0x52: {  	_ =	shalt  }
0x53: {  	_ =	shalt  }
0x54: {  	_ =	shalt  }
0x55: {  	_ =	shalt  }
0x56: {  	_ =	shalt  }
0x57: {  	_ =	shalt  }
0x58: {  	_ =	shalt  }
0x59: {  	_ =	shalt  }
0x5a: {  	_ =	shalt  }
0x5b: {  	_ =	shalt  }
0x5c: {  	_ =	shalt  }
0x5d: {  	_ =	shalt  }
0x5e: {  	_ =	shalt  }
0x5f: {  	_ =	shalt  }
0x60: {  	_ =	shalt  }
0x61: {  	_ =	shalt  }
0x62: {  	_ =	shalt  }
0x63: {  	_ =	shalt  }
0x64: {  	_ =	shalt  }
0x65: {  	_ =	shalt  }
0x66: {  	_ =	shalt  }
0x67: {  	_ =	shalt  }
0x68: {  	_ =	shalt  }
0x69: {  	_ =	shalt  }
0x6a: {  	_ =	shalt  }
0x6b: {  	_ =	shalt  }
0x6c: {  	_ =	shalt  }
0x6d: {  	_ =	shalt  }
0x6e: {  	_ =	shalt  }
0x6f: {  	_ =	shalt  }
0x70: {  	_ =	shalt  }
0x71: {  	_ =	shalt  }
0x72: {  	_ =	shalt  }
0x73: {  	_ =	shalt  }
0x74: {  	_ =	shalt  }
0x75: {  	_ =	shalt  }
0x76: {  	_ =	shalt  }
0x77: {  	_ =	shalt  }
0x78: {  	_ =	shalt  }
0x79: {  	_ =	shalt  }
0x7a: {  	_ =	shalt  }
0x7b: {  	_ =	shalt  }
0x7c: {  	_ =	shalt  }
0x7d: {  	_ =	shalt  }
0x7e: {  	_ =	shalt  }
0x7f: {  	_ =	shalt  }
0x80: {  	_ =	shalt  }
0x81: {  	_ =	shalt  }
0x82: {  	_ =	shalt  }
0x83: {  	_ =	shalt  }
0x84: {  	_ =	shalt  }
0x85: {  	_ =	shalt  }
0x86: {  	_ =	shalt  }
0x87: {  	_ =	shalt  }
.Lfunc_end0:
.L_simem_size_0:
called_computation_lowered:
.L_overlay_start_0:
0x88: {  	s2 =	sld [smem:$0x3FD9]  }
0x89: {  	s3 =	sld [smem:$0x3FFE];
	_ =	sdelay $0x1  }
0x8a: {  	s1 =	srdreg.scid  }
0x8b: {  	s0 =	sand.u32 $0x1, s1  }
0x8c: {  	s17 =	sshll.u32 s0, $0xA;
	s2 =	sadd.s32 s3, s2  }
0x8d: {  	s2 =	sadd.s32 s2, s17  }
0x8e: {  	[smem:$0x3FBF] =	sst s2  }
0x8f: {  	_ = 	snop  }
0x90: {  	s2 =	sld [smem:$0x3FD0];
	(tm) =	ssettm $0x1  }
0x91: {  	s18 =	sld [smem:$0x3FFB];
	_ =	sdelay $0x3  }
0x92: {  	_ =	strace s18  }
0x93: {  	s3 =	sld [smem:$0x3FFC];
	_ =	sdelay $0x3  }
0x94: {  	_ =	strace s3  }
0x95: {  	s3 =	sld [smem:$0x3FFD];
	_ =	sdelay $0x3  }
0x96: {  	_ =	strace s3  }
0x97: {  	_ =	strace $0x8FFFFFFF  }
0x98: {  	s19 =	sld [smem:$0x3FDB];
	_ =	sdelay $0x1  }
0x99: {  	s4 =	simm.s32 $_scs_section_size  }
0x9a: {  	s5 =	simm.s32 $_size__tile_overlayer_lowered;
	s6 =	simm.s32 $_tile_overlayer_lowered  }
0x9b: {  	s22 =	simm.s32 $0x1BFF;
	s21 =	sshll.u32 s6, $0x1;
	s3 =	sadd.s32 s4, s19  }
0x9c: {  	s7 =	simm.s32 $0x0;
	s20 =	sshll.u32 s5, $0x1;
	s5 =	sadd.s32 s21, s3  }
0x9d: {  	[timem:s7], [sflag:s22] =	dma.local [hbm:s5], s20  }
0x9e: {  	_ =	swait.ge [sflag:s22], s20  }
0x9f: {  	s4 =	ssub.s32 $0x0, s20;
	[sflag:s22] =	ssyncset.done $0x0  }
0xa0: {  	[sflag:s22] =	ssyncadd.s32 s4;
	_ =	sdelay $0x1  }
0xa1: {  	s23 =	simm.s32 $0x1B8B  }
0xa2: {  	_ =	swait.ge [sflag:s23], $0x1  }
0xa3: {  	[sflag:s23] =	ssyncset.done $0x0  }
0xa4: {  	s25 =	simm.s32 $0x1B8E;
	s24 =	sld [smem:$0x3FFE];
	[sflag:s23] =	ssyncadd.s32 $0xFFFFFFFF  }
0xa5: {  	s26 =	simm.s32 $execute0_lowered;
	[smem:$0x3FD2] =	sst s25  }
0xa6: {  	s5 =	sshll.u32 s26, $0x1;
	_ =	strace $0x80000046;
	[dreg:$0x1] =	wrdreg $0xFFFFFFFF  }
0xa7: {  	s28 =	simm.s32 $_size_execute0_lowered;
	s3 =	sadd.s32 s3, s5;
	[dreg:$0x0] =	wrdreg $0x0  }
0xa8: {  	s5 =	sshll.u32 s28, $0x1;
	[dreg:$0x2] =	wrdreg s3  }
0xa9: {  	[dreg:$0x3] =	wrdreg s5  }
0xaa: {  	[dreg:$0x4] =	wrdreg $0xC0  }
0xab: {  	_ =	task [dreg:s7], $0x5FFFF  }
0xac: {  	[dreg:$0x1] =	wrdreg $0xFFFFFFFF  }
0xad: {  	[dreg:$0x0] =	wrdreg $0x60  }
0xae: {  	[dreg:$0x2] =	wrdreg s24  }
0xaf: {  	[dreg:$0x3] =	wrdreg s2  }
0xb0: {  	[dreg:$0x4] =	wrdreg $0x9  }
0xb1: {  	_ =	task.clear_ibuf [dreg:s7], $0x5FFFF;
	_ =	strace $0x90000046  }
0xb2: {  	s29 =	simm.s32 $0x9;
	_ =	strace $0x80000048  }
0xb3: {  	_ =	swait.ge [sflag:s29], $0x1  }
0xb4: {  	[sflag:s29] =	ssyncadd.s32 $0xFFFFFFFF  }
0xb5: {  	_ =	strace $0x90000048  }
0xb6: {  	_ =	sfence  }
0xb7: {  	s30 =	sld [smem:$0x0];
	_ =	sdelay $0x2  }
0xb8: {  	s31 =	sshll.u32 s1, $0xD;
	s1 =	sshrl.u32 s1, $0x2  }
0xb9: {  	s3 =	sand.u32 $0x4000, s31;
	s1 =	sadd.s32 s1, s30  }
0xba: {  	s0 =	sor.u32 s3, s0;
	s1 =	sshll.u32 s1, $0x11  }
0xbb: {  	s0 =	sor.u32 s1, s0  }
0xbc: {  	s0 =	sadd.s32 $0x8F2B, s0  }
0xbd: {  	[sflag:s0] =	ssyncadd.remote.s32 $0x1  }
0xbe: {  	_ =	sfence.sel $0xFFFF  }
0xbf: {  	[dreg:$0x0] =	wrdreg $0xFFFFFFFF;
	(pc) =	sbr.abs _section_cstart, $3  }
0xc0: {  	[dreg:$0x1] =	wrdreg $0xFFFFFFFF  }
0xc1: {  	_ =	task.clear_ibuf [dreg:s7], $0x2FFFF;
	_ =	strace $0x9FFFFFFF  }
0xc2: {  	(tm) =	ssettm $0x7FFFFFFF  }
0xc3: {  	_ =	shalt  }
tec
execute0_lowered:
.L_overlay_start_1:
0x0: {  	(tag) =	ssettag $0x1  }
0x1: {  	s3 =	rddreg [dreg:$0x0]  }
0x2: {  	s7 =	rddreg [dreg:$0x1]  }
0x3: {  	s0 =	rddreg [dreg:$0x2];
	s1 =	simm.s32 $0x0  }
0x4: {  	s4 =	srdreg.scid;
	s2 =	stileid.u32;
	s16 =	simm.s32 $0x5000  }
0x5: {  	s17 =	simm.s32 $0x1;
	s18 =	simm.s32 $0x11020;
	s19 =	simm.s32 $0x9000  }
0x6: {  	s20 =	simm.s32 $0x2;
	s21 =	simm.s32 $0xD000;
	s22 =	simm.s32 $0x3  }
0x7: {  	s23 =	simm.s32 $0x0;
	[smem:$0x7FF] =	sst s1;
	s6 =	sadd.s32 $0x800, s3  }
0x8: {  	s4 =	sand.u32 $0x1, s4;
	s8 =	sshll.u32 s2, $0x2;
	s9 =	sadd.s32 $0x4800, s3  }
0x9: {  	s11 =	sadd.s32 $0x24800, s3;
	s5 =	ssub.s32 $0x2, s4;
	s4 =	sshll.u32 s4, $0x1  }
0xa: {  	_ =	strace $0x80000047;
	s10 =	sshrl.u32 s5, $0x1;
	s8 =	sor.u32 s4, s8  }
0xb: {  	s12 =	ssub.s32 s5, s10;
	s30 =	sshll.u32 s8, $0x8;
	s4 =	sshll.u32 s8, $0x1  }
0xc: {  	s31 =	sshll.u32 s8, $0xB;
	s8 =	sor.u32 $0x1, s8;
	s3 =	sadd.s32 s6, s30  }
0xd: {  	s4 =	sadd.s32 s7, s4;
	s5 =	sadd.s32 s9, s31;
	s13 =	sshll.u32 s8, $0x8  }
0xe: {  	s14 =	sshll.u32 s8, $0x1;
	s15 =	sshll.u32 s8, $0xB;
	s6 =	sadd.s32 s6, s13  }
0xf: {  	s7 =	sadd.s32 s7, s14;
	s8 =	sadd.s32 s9, s15;
	s9 =	sadd.s32 s11, s31  }
0x10: {  	s10 =	sadd.s32 s11, s15;
	s11 =	smax.u32 s12, $0x1;
	s12 =	simm.s32 $0x11000  }
0x11: {  	v0 =	vimm.s32 $0x0;
	v1 =	vimm.s32 $0x1;
	s13 =	simm.s32 $0x1000;
	s14 =	simm.s32 $0x800;
	s15 =	simm.s32 $0x11010  }
.LBB2_1:
0x12: {  	[tilespmem:s1], [sflag:$0x1] =	stream.linear.gather [hbm4b:s3+s1], $0x800, $0x38;
	[tilespmem:$0x11830] =	vst v63  }
0x13: {  	_ = 	snop  }
0x14: {  	[tilespmem:s12], [sflag:$0x1] =	stream.linear.gather [hbm4b:s4+s1], $0x10, $0x38;
	[tilespmem:$0x11830] =	vst v63  }
0x15: {  	_ = 	snop  }
0x16: {  	[tilespmem:s13], [sflag:$0x1] =	stream.linear.gather [hbm4b:s5+s1], $0x4000, $0x38;
	[tilespmem:$0x11830] =	vst v63  }
0x17: {  	_ = 	snop  }
0x18: {  	[tilespmem:s14], [sflag:$0x2] =	stream.linear.gather [hbm4b:s6+s1], $0x800, $0x38;
	[tilespmem:$0x11830] =	vst v63  }
0x19: {  	_ = 	snop  }
0x1a: {  	[tilespmem:s15], [sflag:$0x2] =	stream.linear.gather [hbm4b:s7+s1], $0x10, $0x38;
	[tilespmem:$0x11830] =	vst v63  }
0x1b: {  	s24 =	simm.s32 $0x11040  }
0x1c: {  	[tilespmem:s16], [sflag:$0x2] =	stream.linear.gather [hbm4b:s8+s1], $0x4000, $0x38;
	[tilespmem:$0x11830] =	vst v63  }
0x1d: {  	[tilespmem:s24+$0xFFFFFFE0] =	vst v0  }
0x1e: {  	[tilespmem:s24+$0x10] =	vst v0  }
0x1f: {  	s25 =	simm.s32 $0x0;
	[tilespmem:s24+$0x0] =	vst v0  }
.LBB2_2:
0x20: {  	s25 =	sadd.s32 $0x4, s25  }
0x21: {  	[tilespmem:s24+$0xFFFFFFF0] =	vst v0;
	s24 =	sadd.s32 $0x40, s24;
	p0 =	slt.u32 s25, $0x7C  }
.Ltmp0:
0x22: {  	[tilespmem:s24+$0xFFFFFFE0] =	vst v0;
	(pc) =	sbr.rel @p0 .LBB2_2-.Ltmp0, $3  }
0x23: {  	_ =	sdelay $0x1  }
0x24: {  	[tilespmem:s24+$0x10] =	vst v0  }
0x25: {  	[tilespmem:s24+$0x0] =	vst v0  }
0x26: {  	[tilespmem:s24+$0xFFFFFFF0] =	vst v0  }
0x27: {  	[tilespmem:$0x11820] =	vst v0  }
0x28: {  	_ =	swait.ge [sflag:s17], $0x800  }
0x29: {  	[sflag:s17] =	ssyncset.done $0x0  }
0x2a: {  	[sflag:s17] =	ssyncadd.s32 $0xFFFFF800  }
0x2b: {  	_ =	swait.ge [sflag:s17], $0x10  }
0x2c: {  	[sflag:s17] =	ssyncset.done $0x0  }
0x2d: {  	[sflag:s17] =	ssyncadd.s32 $0xFFFFFFF0  }
0x2e: {  	_ =	swait.ge [sflag:s17], $0x4000  }
0x2f: {  	[sflag:s17] =	ssyncset.done $0x0  }
0x30: {  	[sflag:s17] =	ssyncadd.s32 $0xFFFFC000  }
0x31: {  	s24 =	simm.s32 $0xFFFFFFFC;
	s25 =	simm.s32 $0x20;
	v2 =	vld [tilespmem:$0x11000]  }
.LBB2_4:
0x32: {  	v3 =	vld [tilespmem:s25+$0xFFFFFFE0];
	_ =	sdelay $0x4  }
0x33: {  	v3 =	vmul.f32 $2.048000000e+03, v3;
	_ =	sdelay $0x1  }
0x34: {  	v4 =	vsub.f32 v3, v2;
	_ =	sdelay $0x1  }
0x35: {  	v4 =	vtrunc.f32 v4  }
0x36: {  	v4 =	vcvt.f32.s32 v4;
	_ =	sdelay $0x1  }
0x37: {  	v5 =	vadd.s32 $0xFFFFFFFF, v4;
	v7 =	vcvt.s32.f32 v4;
	v8 =	vadd.s32 $0x1, v4  }
0x38: {  	v4 =	vadd.s32 $0x2, v4;
	v6 =	vcvt.s32.f32 v5;
	v8 =	vcvt.s32.f32 v8  }
0x39: {  	v4 =	vcvt.s32.f32 v4;
	v7 =	vadd.f32 v7, v2  }
0x3a: {  	v6 =	vadd.f32 v6, v2;
	v29 =	vadd.f32 v8, v2  }
0x3b: {  	v4 =	vadd.f32 v4, v2;
	vm1 =	vgt.f32 v7, v3  }
0x3c: {  	vm0 =	vgt.f32 v6, v3;
	vm1 =	vmneg vm1;
	vm6 =	vgt.f32 v29, v3  }
0x3d: {  	vm7 =	vgt.f32 v4, v3;
	vm0 =	vmneg vm0;
	v31 =	vsel vm1, $0x1, v0  }
0x3e: {  	v30 =	vsel vm0, $0x1, v0;
	vm0 =	vmneg vm6;
	v3 =	vadd.s32 v31, v5  }
0x3f: {  	vm8 =	vmneg vm7;
	v32 =	vsel vm0, $0x1, v0;
	v3 =	vadd.s32 v30, v3  }
0x40: {  	v33 =	vsel vm8, $0x1, v0;
	v3 =	vadd.s32 v32, v3  }
0x41: {  	v3 =	vadd.s32 v33, v3  }
0x42: {  	vm9 =	vgt.s32 v3, $0x0  }
0x43: {  	v3 =	vnsel vm9, $0x0, v3  }
0x44: {  	v3 =	vmin.u32 v3, $0x800;
	_ =	sdelay $0x4  }
0x45: {  	[tilespmem:v3+s18+$0x0] =	vst.idx.add.s32.msk $0xffff, v1  }
0x46: {  	v3 =	vld [tilespmem:s25+$0xFFFFFFF0];
	_ =	sdelay $0x4  }
0x47: {  	v3 =	vmul.f32 $2.048000000e+03, v3;
	_ =	sdelay $0x1  }
0x48: {  	v34 =	vsub.f32 v3, v2;
	_ =	sdelay $0x1  }
0x49: {  	v4 =	vtrunc.f32 v34  }
0x4a: {  	v4 =	vcvt.f32.s32 v4;
	_ =	sdelay $0x1  }
0x4b: {  	v35 =	vadd.s32 $0xFFFFFFFF, v4;
	v37 =	vcvt.s32.f32 v4;
	v38 =	vadd.s32 $0x1, v4  }
0x4c: {  	v4 =	vadd.s32 $0x2, v4;
	v36 =	vcvt.s32.f32 v35;
	v8 =	vcvt.s32.f32 v38  }
0x4d: {  	v4 =	vcvt.s32.f32 v4;
	v7 =	vadd.f32 v37, v2  }
0x4e: {  	v6 =	vadd.f32 v36, v2;
	v39 =	vadd.f32 v8, v2  }
0x4f: {  	v4 =	vadd.f32 v4, v2;
	vm11 =	vgt.f32 v7, v3  }
0x50: {  	vm10 =	vgt.f32 v6, v3;
	vm1 =	vmneg vm11;
	vm12 =	vgt.f32 v39, v3  }
0x51: {  	vm13 =	vgt.f32 v4, v3;
	vm0 =	vmneg vm10;
	v41 =	vsel vm1, $0x1, v0  }
0x52: {  	v40 =	vsel vm0, $0x1, v0;
	vm0 =	vmneg vm12;
	v3 =	vadd.s32 v41, v35  }
0x53: {  	vm14 =	vmneg vm13;
	v42 =	vsel vm0, $0x1, v0;
	v3 =	vadd.s32 v40, v3  }
0x54: {  	v43 =	vsel vm14, $0x1, v0;
	v3 =	vadd.s32 v42, v3  }
0x55: {  	v3 =	vadd.s32 v43, v3  }
0x56: {  	vm15 =	vgt.s32 v3, $0x0  }
0x57: {  	v3 =	vnsel vm15, $0x0, v3  }
0x58: {  	v3 =	vmin.u32 v3, $0x800;
	_ =	sdelay $0x4  }
0x59: {  	[tilespmem:v3+s18+$0x0] =	vst.idx.add.s32.msk $0xffff, v1  }
0x5a: {  	v3 =	vld [tilespmem:s25+$0x0];
	_ =	sdelay $0x4  }
0x5b: {  	v3 =	vmul.f32 $2.048000000e+03, v3;
	_ =	sdelay $0x1  }
0x5c: {  	v44 =	vsub.f32 v3, v2;
	_ =	sdelay $0x1  }
0x5d: {  	v4 =	vtrunc.f32 v44  }
0x5e: {  	v4 =	vcvt.f32.s32 v4;
	_ =	sdelay $0x1  }
0x5f: {  	v45 =	vadd.s32 $0xFFFFFFFF, v4;
	v47 =	vcvt.s32.f32 v4;
	v48 =	vadd.s32 $0x1, v4  }
0x60: {  	v4 =	vadd.s32 $0x2, v4;
	v46 =	vcvt.s32.f32 v45;
	v8 =	vcvt.s32.f32 v48  }
0x61: {  	v4 =	vcvt.s32.f32 v4;
	v7 =	vadd.f32 v47, v2  }
0x62: {  	v6 =	vadd.f32 v46, v2;
	v49 =	vadd.f32 v8, v2  }
0x63: {  	v4 =	vadd.f32 v4, v2;
	vm5 =	vgt.f32 v7, v3  }
0x64: {  	vm4 =	vgt.f32 v6, v3;
	vm1 =	vmneg vm5;
	vm6 =	vgt.f32 v49, v3  }
0x65: {  	vm7 =	vgt.f32 v4, v3;
	vm0 =	vmneg vm4;
	v51 =	vsel vm1, $0x1, v0  }
0x66: {  	v50 =	vsel vm0, $0x1, v0;
	vm0 =	vmneg vm6;
	v3 =	vadd.s32 v51, v45  }
0x67: {  	vm8 =	vmneg vm7;
	v52 =	vsel vm0, $0x1, v0;
	v3 =	vadd.s32 v50, v3  }
0x68: {  	v53 =	vsel vm8, $0x1, v0;
	v3 =	vadd.s32 v52, v3  }
0x69: {  	v3 =	vadd.s32 v53, v3  }
0x6a: {  	vm9 =	vgt.s32 v3, $0x0  }
0x6b: {  	v3 =	vnsel vm9, $0x0, v3  }
0x6c: {  	v3 =	vmin.u32 v3, $0x800;
	_ =	sdelay $0x4  }
0x6d: {  	[tilespmem:v3+s18+$0x0] =	vst.idx.add.s32.msk $0xffff, v1  }
0x6e: {  	v3 =	vld [tilespmem:s25+$0x10];
	_ =	sdelay $0x4  }
0x6f: {  	v3 =	vmul.f32 $2.048000000e+03, v3;
	_ =	sdelay $0x1  }
0x70: {  	v54 =	vsub.f32 v3, v2;
	_ =	sdelay $0x1  }
0x71: {  	v4 =	vtrunc.f32 v54  }
0x72: {  	v4 =	vcvt.f32.s32 v4;
	_ =	sdelay $0x1  }
0x73: {  	v55 =	vadd.s32 $0xFFFFFFFF, v4;
	v57 =	vcvt.s32.f32 v4;
	v58 =	vadd.s32 $0x1, v4  }
0x74: {  	v4 =	vadd.s32 $0x2, v4;
	v56 =	vcvt.s32.f32 v55;
	v8 =	vcvt.s32.f32 v58  }
0x75: {  	v4 =	vcvt.s32.f32 v4;
	v7 =	vadd.f32 v57, v2  }
0x76: {  	v6 =	vadd.f32 v56, v2;
	v59 =	vadd.f32 v8, v2  }
0x77: {  	v4 =	vadd.f32 v4, v2;
	vm11 =	vgt.f32 v7, v3  }
0x78: {  	vm10 =	vgt.f32 v6, v3;
	vm1 =	vmneg vm11;
	vm12 =	vgt.f32 v59, v3  }
0x79: {  	vm13 =	vgt.f32 v4, v3;
	vm0 =	vmneg vm10;
	v61 =	vsel vm1, $0x1, v0  }
0x7a: {  	v60 =	vsel vm0, $0x1, v0;
	vm0 =	vmneg vm12;
	v3 =	vadd.s32 v61, v55  }
0x7b: {  	vm14 =	vmneg vm13;
	v62 =	vsel vm0, $0x1, v0;
	v3 =	vadd.s32 v60, v3  }
0x7c: {  	v63 =	vsel vm14, $0x1, v0;
	v3 =	vadd.s32 v62, v3  }
0x7d: {  	v3 =	vadd.s32 v63, v3  }
0x7e: {  	vm15 =	vgt.s32 v3, $0x0  }
0x7f: {  	s24 =	sadd.s32 $0x4, s24;
	v3 =	vnsel vm15, $0x0, v3  }
0x80: {  	p0 =	slt.u32 s24, $0x7C;
	v3 =	vmin.u32 v3, $0x800  }
.Ltmp1:
0x81: {  	_ = 	snop;
	(pc) =	sbr.rel @p0 .LBB2_4-.Ltmp1, $3  }
0x82: {  	_ =	sdelay $0x1  }
0x83: {  	s30 =	simm.s32 $0x0;
	s26 =	simm.s32 $0xFFFFFFFE  }
0x84: {  	s28 =	simm.s32 $0xB000;
	s29 =	simm.s32 $0x11030;
	s25 =	sadd.s32 $0x40, s25;
	[tilespmem:v3+s18+$0x0] =	vst.idx.add.s32.msk $0xffff, v1  }
.LBB2_5:
0x85: {  	v2 =	vld [tilespmem:s29+$0xFFFFFFF0];
	_ =	sdelay $0x4  }
0x86: {  	(xrf0) =	vadd.scan.msk.s32 $0xffff, v2;
	_ =	sdelay $0x5  }
0x87: {  	v2, _, _ =	vpop (xrf0)  }
0x88: {  	v2 =	vadd.s32 s30, v2;
	_ =	sdelay $0x3  }
0x89: {  	[tilespmem:s29+$0xFFFFFFF0] =	vst v0  }
0x8a: {  	v3 =	vld.idx.msk [tilespmem:v2+s13+$0x0], $0xffff  }
0x8b: {  	v4 =	vadd.s32 $0x800, v2;
	_ =	sdelay $0x3  }
0x8c: {  	[tilespmem:s28+$0xFFFFE000] =	vst v3  }
0x8d: {  	v3 =	vld.idx.msk [tilespmem:v4+s13+$0x0], $0xffff  }
0x8e: {  	v52 =	vadd.s32 $0x1000, v2;
	_ =	sdelay $0x3  }
0x8f: {  	[tilespmem:s28+$0xFFFFE800] =	vst v3  }
0x90: {  	v3 =	vld.idx.msk [tilespmem:v52+s13+$0x0], $0xffff  }
0x91: {  	v53 =	vadd.s32 $0x1800, v2;
	_ =	sdelay $0x3  }
0x92: {  	[tilespmem:s28+$0xFFFFF000] =	vst v3  }
0x93: {  	v3 =	vld.idx.msk [tilespmem:v53+s13+$0x0], $0xffff  }
0x94: {  	v54 =	vadd.s32 $0x2000, v2;
	_ =	sdelay $0x3  }
0x95: {  	[tilespmem:s28+$0xFFFFF800] =	vst v3  }
0x96: {  	v3 =	vld.idx.msk [tilespmem:v54+s13+$0x0], $0xffff  }
0x97: {  	v55 =	vadd.s32 $0x2800, v2;
	_ =	sdelay $0x3  }
0x98: {  	[tilespmem:s28+$0x0] =	vst v3  }
0x99: {  	v3 =	vld.idx.msk [tilespmem:v55+s13+$0x0], $0xffff  }
0x9a: {  	v56 =	vadd.s32 $0x3000, v2;
	_ =	sdelay $0x3  }
0x9b: {  	[tilespmem:s28+$0x800] =	vst v3;
	v3 =	vxor.u32 $0x80000000, v2  }
0x9c: {  	v4 =	vld.idx.msk [tilespmem:v56+s13+$0x0], $0xffff;
	(xrf0) =	vmax.scan.msk.u32 $0xffff, v3  }
0x9d: {  	v2 =	vadd.s32 $0x3800, v2;
	_ =	sdelay $0x3  }
0x9e: {  	[tilespmem:s28+$0x1000] =	vst v4  }
0x9f: {  	v2 =	vld.idx.msk [tilespmem:v2+s13+$0x0], $0xffff;
	v3, _, _ =	vpop (xrf0)  }
0xa0: {  	(v2sf) =	vpush v3, $0xF;
	_ =	sdelay $0x3  }
0xa1: {  	[tilespmem:s28+$0x1800] =	vst v2  }
0xa2: {  	v2 =	vld [tilespmem:s29+$0x0];
	_ =	sdelay $0x4  }
0xa3: {  	(xrf0) =	vadd.scan.msk.s32 $0xffff, v2;
	_ =	sdelay $0x4  }
0xa4: {  	s24 =	spop (v2sf)  }
0xa5: {  	s24 =	sxor.u32 $0x80000000, s24;
	v2, _, _ =	vpop (xrf0)  }
0xa6: {  	v2 =	vadd.s32 s24, v2;
	_ =	sdelay $0x3  }
0xa7: {  	[tilespmem:s29+$0x0] =	vst v0  }
0xa8: {  	v3 =	vld.idx.msk [tilespmem:v2+s13+$0x0], $0xffff  }
0xa9: {  	v57 =	vadd.s32 $0x800, v2;
	_ =	sdelay $0x3  }
0xaa: {  	[tilespmem:s28+$0xFFFFE010] =	vst v3  }
0xab: {  	v3 =	vld.idx.msk [tilespmem:v57+s13+$0x0], $0xffff  }
0xac: {  	v58 =	vadd.s32 $0x1000, v2;
	_ =	sdelay $0x3  }
0xad: {  	[tilespmem:s28+$0xFFFFE810] =	vst v3  }
0xae: {  	v3 =	vld.idx.msk [tilespmem:v58+s13+$0x0], $0xffff  }
0xaf: {  	v59 =	vadd.s32 $0x1800, v2;
	_ =	sdelay $0x3  }
0xb0: {  	[tilespmem:s28+$0xFFFFF010] =	vst v3  }
0xb1: {  	v3 =	vld.idx.msk [tilespmem:v59+s13+$0x0], $0xffff  }
0xb2: {  	v60 =	vadd.s32 $0x2000, v2;
	_ =	sdelay $0x3  }
0xb3: {  	v61 =	vxor.u32 $0x80000000, v2;
	[tilespmem:s28+$0xFFFFF810] =	vst v3  }
0xb4: {  	(xrf0) =	vmax.scan.msk.u32 $0xffff, v61;
	v3 =	vld.idx.msk [tilespmem:v60+s13+$0x0], $0xffff  }
0xb5: {  	v5 =	vadd.s32 $0x2800, v2;
	_ =	sdelay $0x3  }
0xb6: {  	[tilespmem:s28+$0x10] =	vst v3  }
0xb7: {  	v63, _, _ =	vpop (xrf0);
	v3 =	vld.idx.msk [tilespmem:v5+s13+$0x0], $0xffff  }
0xb8: {  	v62 =	vadd.s32 $0x3000, v2;
	(v2sf) =	vpush v63, $0xF;
	_ =	sdelay $0x3  }
0xb9: {  	[tilespmem:s28+$0x810] =	vst v3  }
0xba: {  	v3 =	vld.idx.msk [tilespmem:v62+s13+$0x0], $0xffff  }
0xbb: {  	v2 =	vadd.s32 $0x3800, v2;
	_ =	sdelay $0x3  }
0xbc: {  	s26 =	sadd.s32 $0x2, s26;
	[tilespmem:s28+$0x1010] =	vst v3  }
0xbd: {  	p0 =	slt.u32 s26, $0x7E;
	v2 =	vld.idx.msk [tilespmem:v2+s13+$0x0], $0xffff  }
.Ltmp2:
0xbe: {  	_ = 	snop;
	(pc) =	sbr.rel @p0 .LBB2_5-.Ltmp2, $3  }
0xbf: {  	_ =	sdelay $0x1  }
0xc0: {  	s31 =	spop (v2sf)  }
0xc1: {  	s29 =	sadd.s32 $0x20, s29;
	s30 =	sxor.u32 $0x80000000, s31;
	[tilespmem:s28+$0x1810] =	vst v2;
	s28 =	sadd.s32 $0x20, s28  }
0xc2: {  	[hbm4b:s9+s1] =	stream.linear.scatter [tilespmem:s19], [sflag:$0x3], $0x4000, $0x38;
	[tilespmem:$0x11830] =	vst v63  }
0xc3: {  	_ =	swait.ge [sflag:s20], $0x800  }
0xc4: {  	[sflag:s20] =	ssyncset.done $0x0  }
0xc5: {  	[sflag:s20] =	ssyncadd.s32 $0xFFFFF800  }
0xc6: {  	_ =	swait.ge [sflag:s20], $0x10  }
0xc7: {  	[sflag:s20] =	ssyncset.done $0x0  }
0xc8: {  	[sflag:s20] =	ssyncadd.s32 $0xFFFFFFF0  }
0xc9: {  	_ =	swait.ge [sflag:s20], $0x4000  }
0xca: {  	[sflag:s20] =	ssyncset.done $0x0  }
0xcb: {  	[sflag:s20] =	ssyncadd.s32 $0xFFFFC000  }
0xcc: {  	s24 =	simm.s32 $0xFFFFFFFC;
	s25 =	simm.s32 $0x830;
	v2 =	vld [tilespmem:$0x11010]  }
.LBB2_7:
0xcd: {  	v3 =	vld [tilespmem:s25+$0xFFFFFFD0];
	_ =	sdelay $0x4  }
0xce: {  	v3 =	vmul.f32 $2.048000000e+03, v3;
	_ =	sdelay $0x1  }
0xcf: {  	v4 =	vsub.f32 v3, v2;
	_ =	sdelay $0x1  }
0xd0: {  	v4 =	vtrunc.f32 v4  }
0xd1: {  	v4 =	vcvt.f32.s32 v4;
	_ =	sdelay $0x1  }
0xd2: {  	v5 =	vadd.s32 $0xFFFFFFFF, v4;
	v7 =	vcvt.s32.f32 v4;
	v8 =	vadd.s32 $0x1, v4  }
0xd3: {  	v4 =	vadd.s32 $0x2, v4;
	v6 =	vcvt.s32.f32 v5;
	v8 =	vcvt.s32.f32 v8  }
0xd4: {  	v4 =	vcvt.s32.f32 v4;
	v7 =	vadd.f32 v7, v2  }
0xd5: {  	v6 =	vadd.f32 v6, v2;
	v29 =	vadd.f32 v8, v2  }
0xd6: {  	v4 =	vadd.f32 v4, v2;
	vm1 =	vgt.f32 v7, v3  }
0xd7: {  	vm0 =	vgt.f32 v6, v3;
	vm1 =	vmneg vm1;
	vm6 =	vgt.f32 v29, v3  }
0xd8: {  	vm7 =	vgt.f32 v4, v3;
	vm0 =	vmneg vm0;
	v31 =	vsel vm1, $0x1, v0  }
0xd9: {  	v30 =	vsel vm0, $0x1, v0;
	vm0 =	vmneg vm6;
	v3 =	vadd.s32 v31, v5  }
0xda: {  	vm8 =	vmneg vm7;
	v32 =	vsel vm0, $0x1, v0;
	v3 =	vadd.s32 v30, v3  }
0xdb: {  	v33 =	vsel vm8, $0x1, v0;
	v3 =	vadd.s32 v32, v3  }
0xdc: {  	v3 =	vadd.s32 v33, v3  }
0xdd: {  	vm9 =	vgt.s32 v3, $0x0  }
0xde: {  	v3 =	vnsel vm9, $0x0, v3  }
0xdf: {  	v3 =	vmin.u32 v3, $0x800;
	_ =	sdelay $0x4  }
0xe0: {  	[tilespmem:v3+s18+$0x0] =	vst.idx.add.s32.msk $0xffff, v1  }
0xe1: {  	v3 =	vld [tilespmem:s25+$0xFFFFFFE0];
	_ =	sdelay $0x4  }
0xe2: {  	v3 =	vmul.f32 $2.048000000e+03, v3;
	_ =	sdelay $0x1  }
0xe3: {  	v34 =	vsub.f32 v3, v2;
	_ =	sdelay $0x1  }
0xe4: {  	v4 =	vtrunc.f32 v34  }
0xe5: {  	v4 =	vcvt.f32.s32 v4;
	_ =	sdelay $0x1  }
0xe6: {  	v35 =	vadd.s32 $0xFFFFFFFF, v4;
	v37 =	vcvt.s32.f32 v4;
	v38 =	vadd.s32 $0x1, v4  }
0xe7: {  	v4 =	vadd.s32 $0x2, v4;
	v36 =	vcvt.s32.f32 v35;
	v8 =	vcvt.s32.f32 v38  }
0xe8: {  	v4 =	vcvt.s32.f32 v4;
	v7 =	vadd.f32 v37, v2  }
0xe9: {  	v6 =	vadd.f32 v36, v2;
	v39 =	vadd.f32 v8, v2  }
0xea: {  	v4 =	vadd.f32 v4, v2;
	vm11 =	vgt.f32 v7, v3  }
0xeb: {  	vm10 =	vgt.f32 v6, v3;
	vm1 =	vmneg vm11;
	vm12 =	vgt.f32 v39, v3  }
0xec: {  	vm13 =	vgt.f32 v4, v3;
	vm0 =	vmneg vm10;
	v41 =	vsel vm1, $0x1, v0  }
0xed: {  	v40 =	vsel vm0, $0x1, v0;
	vm0 =	vmneg vm12;
	v3 =	vadd.s32 v41, v35  }
0xee: {  	vm14 =	vmneg vm13;
	v42 =	vsel vm0, $0x1, v0;
	v3 =	vadd.s32 v40, v3  }
0xef: {  	v43 =	vsel vm14, $0x1, v0;
	v3 =	vadd.s32 v42, v3  }
0xf0: {  	v3 =	vadd.s32 v43, v3  }
0xf1: {  	vm15 =	vgt.s32 v3, $0x0  }
0xf2: {  	v3 =	vnsel vm15, $0x0, v3  }
0xf3: {  	v3 =	vmin.u32 v3, $0x800;
	_ =	sdelay $0x4  }
0xf4: {  	[tilespmem:v3+s18+$0x0] =	vst.idx.add.s32.msk $0xffff, v1  }
0xf5: {  	v3 =	vld [tilespmem:s25+$0xFFFFFFF0];
	_ =	sdelay $0x4  }
0xf6: {  	v3 =	vmul.f32 $2.048000000e+03, v3;
	_ =	sdelay $0x1  }
0xf7: {  	v44 =	vsub.f32 v3, v2;
	_ =	sdelay $0x1  }
0xf8: {  	v4 =	vtrunc.f32 v44  }
0xf9: {  	v4 =	vcvt.f32.s32 v4;
	_ =	sdelay $0x1  }
0xfa: {  	v45 =	vadd.s32 $0xFFFFFFFF, v4;
	v47 =	vcvt.s32.f32 v4;
	v48 =	vadd.s32 $0x1, v4  }
0xfb: {  	v4 =	vadd.s32 $0x2, v4;
	v46 =	vcvt.s32.f32 v45;
	v8 =	vcvt.s32.f32 v48  }
0xfc: {  	v4 =	vcvt.s32.f32 v4;
	v7 =	vadd.f32 v47, v2  }
0xfd: {  	v6 =	vadd.f32 v46, v2;
	v49 =	vadd.f32 v8, v2  }
0xfe: {  	v4 =	vadd.f32 v4, v2;
	vm5 =	vgt.f32 v7, v3  }
0xff: {  	vm4 =	vgt.f32 v6, v3;
	vm1 =	vmneg vm5;
	vm6 =	vgt.f32 v49, v3  }
0x100: {  	vm7 =	vgt.f32 v4, v3;
	vm0 =	vmneg vm4;
	v51 =	vsel vm1, $0x1, v0  }
0x101: {  	v50 =	vsel vm0, $0x1, v0;
	vm0 =	vmneg vm6;
	v3 =	vadd.s32 v51, v45  }
0x102: {  	vm8 =	vmneg vm7;
	v52 =	vsel vm0, $0x1, v0;
	v3 =	vadd.s32 v50, v3  }
0x103: {  	v53 =	vsel vm8, $0x1, v0;
	v3 =	vadd.s32 v52, v3  }
0x104: {  	v3 =	vadd.s32 v53, v3  }
0x105: {  	vm9 =	vgt.s32 v3, $0x0  }
0x106: {  	v3 =	vnsel vm9, $0x0, v3  }
0x107: {  	v3 =	vmin.u32 v3, $0x800;
	_ =	sdelay $0x4  }
0x108: {  	[tilespmem:v3+s18+$0x0] =	vst.idx.add.s32.msk $0xffff, v1  }
0x109: {  	v3 =	vld [tilespmem:s25+$0x0];
	_ =	sdelay $0x4  }
0x10a: {  	v3 =	vmul.f32 $2.048000000e+03, v3;
	_ =	sdelay $0x1  }
0x10b: {  	v54 =	vsub.f32 v3, v2;
	_ =	sdelay $0x1  }
0x10c: {  	v4 =	vtrunc.f32 v54  }
0x10d: {  	v4 =	vcvt.f32.s32 v4;
	_ =	sdelay $0x1  }
0x10e: {  	v55 =	vadd.s32 $0xFFFFFFFF, v4;
	v57 =	vcvt.s32.f32 v4;
	v58 =	vadd.s32 $0x1, v4  }
0x10f: {  	v4 =	vadd.s32 $0x2, v4;
	v56 =	vcvt.s32.f32 v55;
	v8 =	vcvt.s32.f32 v58  }
0x110: {  	v4 =	vcvt.s32.f32 v4;
	v7 =	vadd.f32 v57, v2  }
0x111: {  	v6 =	vadd.f32 v56, v2;
	v59 =	vadd.f32 v8, v2  }
0x112: {  	v4 =	vadd.f32 v4, v2;
	vm11 =	vgt.f32 v7, v3  }
0x113: {  	vm10 =	vgt.f32 v6, v3;
	vm1 =	vmneg vm11;
	vm12 =	vgt.f32 v59, v3  }
0x114: {  	vm13 =	vgt.f32 v4, v3;
	vm0 =	vmneg vm10;
	v61 =	vsel vm1, $0x1, v0  }
0x115: {  	v60 =	vsel vm0, $0x1, v0;
	vm0 =	vmneg vm12;
	v3 =	vadd.s32 v61, v55  }
0x116: {  	vm14 =	vmneg vm13;
	v62 =	vsel vm0, $0x1, v0;
	v3 =	vadd.s32 v60, v3  }
0x117: {  	v63 =	vsel vm14, $0x1, v0;
	v3 =	vadd.s32 v62, v3  }
0x118: {  	v3 =	vadd.s32 v63, v3  }
0x119: {  	vm15 =	vgt.s32 v3, $0x0  }
0x11a: {  	s24 =	sadd.s32 $0x4, s24;
	v3 =	vnsel vm15, $0x0, v3  }
0x11b: {  	p0 =	slt.u32 s24, $0x7C;
	v3 =	vmin.u32 v3, $0x800  }
.Ltmp3:
0x11c: {  	_ = 	snop;
	(pc) =	sbr.rel @p0 .LBB2_7-.Ltmp3, $2  }
0x11d: {  	_ =	sdelay $0x2  }
0x11e: {  	s26 =	simm.s32 $0x0;
	s25 =	sadd.s32 $0x40, s25;
	[tilespmem:v3+s18+$0x0] =	vst.idx.add.s32.msk $0xffff, v1  }
0x11f: {  	s24 =	simm.s32 $0x0  }
0x120: {  	v2 =	vld [tilespmem:s24+$0x11020];
	_ =	sdelay $0x4  }
0x121: {  	(xrf0) =	vadd.scan.msk.s32 $0xffff, v2;
	_ =	sdelay $0x5  }
0x122: {  	v2, _, _ =	vpop (xrf0)  }
0x123: {  	v2 =	vadd.s32 s26, v2;
	_ =	sdelay $0x3  }
0x124: {  	[tilespmem:s24+$0x11020] =	vst v0  }
0x125: {  	v3 =	vld.idx.msk [tilespmem:v2+s16+$0x0], $0xffff  }
0x126: {  	v4 =	vadd.s32 $0x800, v2;
	_ =	sdelay $0x3  }
0x127: {  	[tilespmem:s24+$0xD000] =	vst v3  }
0x128: {  	v3 =	vld.idx.msk [tilespmem:v4+s16+$0x0], $0xffff  }
0x129: {  	v4 =	vadd.s32 $0x1000, v2;
	_ =	sdelay $0x3  }
0x12a: {  	[tilespmem:s24+$0xD800] =	vst v3  }
0x12b: {  	v3 =	vld.idx.msk [tilespmem:v4+s16+$0x0], $0xffff  }
0x12c: {  	v4 =	vadd.s32 $0x1800, v2;
	_ =	sdelay $0x3  }
0x12d: {  	[tilespmem:s24+$0xE000] =	vst v3  }
0x12e: {  	v3 =	vxor.u32 $0x80000000, v2;
	v4 =	vld.idx.msk [tilespmem:v4+s16+$0x0], $0xffff  }
0x12f: {  	(xrf0) =	vmax.scan.msk.u32 $0xffff, v3;
	v3 =	vadd.s32 $0x2000, v2;
	_ =	sdelay $0x3  }
0x130: {  	[tilespmem:s24+$0xE800] =	vst v4  }
0x131: {  	v3 =	vld.idx.msk [tilespmem:v3+s16+$0x0], $0xffff  }
0x132: {  	v5 =	vadd.s32 $0x2800, v2;
	v4, _, _ =	vpop (xrf0)  }
0x133: {  	(v2sf) =	vpush v4, $0xF;
	_ =	sdelay $0x2  }
0x134: {  	[tilespmem:s24+$0xF000] =	vst v3  }
0x135: {  	v3 =	vld.idx.msk [tilespmem:v5+s16+$0x0], $0xffff  }
0x136: {  	v4 =	vadd.s32 $0x3000, v2;
	v5 =	vld [tilespmem:s24+$0x11030];
	_ =	sdelay $0x3  }
0x137: {  	[tilespmem:s24+$0xF800] =	vst v3  }
0x138: {  	(xrf0) =	vadd.scan.msk.s32 $0xffff, v5;
	v3 =	vld.idx.msk [tilespmem:v4+s16+$0x0], $0xffff  }
0x139: {  	v2 =	vadd.s32 $0x3800, v2;
	_ =	sdelay $0x3  }
0x13a: {  	s25 =	spop (v2sf);
	[tilespmem:s24+$0x10000] =	vst v3  }
0x13b: {  	s25 =	sxor.u32 $0x80000000, s25;
	v3, _, _ =	vpop (xrf0);
	v2 =	vld.idx.msk [tilespmem:v2+s16+$0x0], $0xffff  }
0x13c: {  	v3 =	vadd.s32 s25, v3;
	_ =	sdelay $0x2  }
0x13d: {  	[tilespmem:s24+$0x11030] =	vst v0  }
0x13e: {  	[tilespmem:s24+$0x10800] =	vst v2  }
0x13f: {  	v2 =	vld.idx.msk [tilespmem:v3+s16+$0x0], $0xffff  }
0x140: {  	v4 =	vadd.s32 $0x800, v3;
	_ =	sdelay $0x3  }
0x141: {  	[tilespmem:s24+$0xD010] =	vst v2  }
0x142: {  	v2 =	vld.idx.msk [tilespmem:v4+s16+$0x0], $0xffff  }
0x143: {  	v4 =	vadd.s32 $0x1000, v3;
	_ =	sdelay $0x3  }
0x144: {  	[tilespmem:s24+$0xD810] =	vst v2  }
0x145: {  	v2 =	vld.idx.msk [tilespmem:v4+s16+$0x0], $0xffff  }
0x146: {  	v4 =	vadd.s32 $0x1800, v3;
	_ =	sdelay $0x3  }
0x147: {  	v5 =	vxor.u32 $0x80000000, v3;
	[tilespmem:s24+$0xE010] =	vst v2  }
0x148: {  	(xrf0) =	vmax.scan.msk.u32 $0xffff, v5;
	v2 =	vld.idx.msk [tilespmem:v4+s16+$0x0], $0xffff  }
0x149: {  	v4 =	vadd.s32 $0x2000, v3;
	_ =	sdelay $0x3  }
0x14a: {  	[tilespmem:s24+$0xE810] =	vst v2  }
0x14b: {  	v2, _, _ =	vpop (xrf0);
	v4 =	vld.idx.msk [tilespmem:v4+s16+$0x0], $0xffff  }
0x14c: {  	(v2sf) =	vpush v2, $0xF;
	v2 =	vadd.s32 $0x2800, v3;
	_ =	sdelay $0x3  }
0x14d: {  	[tilespmem:s24+$0xF010] =	vst v4  }
0x14e: {  	s28 =	simm.s32 $0x20;
	v2 =	vld.idx.msk [tilespmem:v2+s16+$0x0], $0xffff  }
0x14f: {  	v5 =	vadd.s32 $0x3000, v3;
	v4 =	vld [tilespmem:s28+$0x11020];
	_ =	sdelay $0x3  }
0x150: {  	[tilespmem:s24+$0xF810] =	vst v2  }
0x151: {  	(xrf0) =	vadd.scan.msk.s32 $0xffff, v4;
	v2 =	vld.idx.msk [tilespmem:v5+s16+$0x0], $0xffff  }
0x152: {  	v3 =	vadd.s32 $0x3800, v3;
	_ =	sdelay $0x3  }
0x153: {  	s31 =	spop (v2sf);
	[tilespmem:s24+$0x10010] =	vst v2  }
0x154: {  	s25 =	sxor.u32 $0x80000000, s31;
	v4, _, _ =	vpop (xrf0);
	v3 =	vld.idx.msk [tilespmem:v3+s16+$0x0], $0xffff  }
0x155: {  	v2 =	vadd.s32 s25, v4  }
0x156: {  	v4 =	vxor.u32 $0x80000000, v2  }
0x157: {  	s26 =	simm.s32 $0x80;
	s25 =	simm.s32 $0x2;
	[tilespmem:s28+$0x11020] =	vst v0;
	(xrf0) =	vmax.scan.msk.u32 $0xffff, v4  }
.LBB2_9:
0x158: {  	_ = 	snop  }
0x159: {  	s25 =	sadd.s32 $0x2, s25;
	[tilespmem:s24+$0x10810] =	vst v3;
	s24 =	smov.u32 s28  }
0x15a: {  	p0 =	slt.u32 s25, $0x7E;
	v3 =	vld.idx.msk [tilespmem:v2+s16+$0x0], $0xffff;
	_ =	sdelay $0x1  }
0x15b: {  	v4 =	vadd.s32 $0x800, v2  }
0x15c: {  	v5, _, _ =	vpop (xrf0)  }
0x15d: {  	(v2sf) =	vpush v5, $0xF;
	_ =	sdelay $0x1  }
0x15e: {  	[tilespmem:s24+$0xD000] =	vst v3  }
0x15f: {  	v3 =	vld.idx.msk [tilespmem:v4+s16+$0x0], $0xffff;
	_ =	sdelay $0x1  }
0x160: {  	v4 =	vadd.s32 $0x1000, v2;
	_ =	sdelay $0x3  }
0x161: {  	[tilespmem:s24+$0xD800] =	vst v3  }
0x162: {  	v3 =	vld.idx.msk [tilespmem:v4+s16+$0x0], $0xffff;
	_ =	sdelay $0x1  }
0x163: {  	v4 =	vadd.s32 $0x1800, v2;
	_ =	sdelay $0x2  }
0x164: {  	s28 =	spop (v2sf)  }
0x165: {  	[tilespmem:s24+$0xE000] =	vst v3;
	s28 =	sxor.u32 $0x80000000, s28  }
0x166: {  	v3 =	vld.idx.msk [tilespmem:v4+s16+$0x0], $0xffff;
	_ =	sdelay $0x1  }
0x167: {  	v4 =	vadd.s32 $0x2000, v2;
	_ =	sdelay $0x3  }
0x168: {  	[tilespmem:s24+$0xE800] =	vst v3  }
0x169: {  	v3 =	vld.idx.msk [tilespmem:v4+s16+$0x0], $0xffff;
	_ =	sdelay $0x1  }
0x16a: {  	v4 =	vadd.s32 $0x2800, v2;
	_ =	sdelay $0x3  }
0x16b: {  	[tilespmem:s24+$0xF000] =	vst v3  }
0x16c: {  	v3 =	vld.idx.msk [tilespmem:v4+s16+$0x0], $0xffff;
	_ =	sdelay $0x1  }
0x16d: {  	v4 =	vadd.s32 $0x3000, v2;
	_ =	sdelay $0x1  }
0x16e: {  	v5 =	vld [tilespmem:s24+$0x11030];
	_ =	sdelay $0x1  }
0x16f: {  	[tilespmem:s24+$0xF800] =	vst v3  }
0x170: {  	v3 =	vld.idx.msk [tilespmem:v4+s16+$0x0], $0xffff;
	_ =	sdelay $0x1  }
0x171: {  	v2 =	vadd.s32 $0x3800, v2;
	(xrf0) =	vadd.scan.msk.s32 $0xffff, v5;
	_ =	sdelay $0x3  }
0x172: {  	[tilespmem:s24+$0x10000] =	vst v3  }
0x173: {  	v2 =	vld.idx.msk [tilespmem:v2+s16+$0x0], $0xffff  }
0x174: {  	[tilespmem:s24+$0x11030] =	vst v0;
	v3, _, _ =	vpop (xrf0)  }
0x175: {  	v3 =	vadd.s32 s28, v3  }
0x176: {  	v4 =	vxor.u32 $0x80000000, v3  }
0x177: {  	(xrf0) =	vmax.scan.msk.u32 $0xffff, v4;
	_ =	sdelay $0x1  }
0x178: {  	[tilespmem:s24+$0x10800] =	vst v2  }
0x179: {  	v2 =	vld.idx.msk [tilespmem:v3+s16+$0x0], $0xffff;
	_ =	sdelay $0x1  }
0x17a: {  	v4 =	vadd.s32 $0x800, v3  }
0x17b: {  	v5, _, _ =	vpop (xrf0)  }
0x17c: {  	(v2sf) =	vpush v5, $0xF;
	_ =	sdelay $0x1  }
0x17d: {  	[tilespmem:s24+$0xD010] =	vst v2  }
0x17e: {  	v2 =	vld.idx.msk [tilespmem:v4+s16+$0x0], $0xffff;
	_ =	sdelay $0x1  }
0x17f: {  	v4 =	vadd.s32 $0x1000, v3;
	_ =	sdelay $0x3  }
0x180: {  	[tilespmem:s24+$0xD810] =	vst v2  }
0x181: {  	v2 =	vld.idx.msk [tilespmem:v4+s16+$0x0], $0xffff;
	_ =	sdelay $0x1  }
0x182: {  	v4 =	vadd.s32 $0x1800, v3;
	_ =	sdelay $0x2  }
0x183: {  	s28 =	spop (v2sf)  }
0x184: {  	[tilespmem:s24+$0xE010] =	vst v2;
	s29 =	sxor.u32 $0x80000000, s28  }
0x185: {  	v2 =	vld.idx.msk [tilespmem:v4+s16+$0x0], $0xffff;
	_ =	sdelay $0x1  }
0x186: {  	v4 =	vadd.s32 $0x2000, v3;
	_ =	sdelay $0x3  }
0x187: {  	[tilespmem:s24+$0xE810] =	vst v2  }
0x188: {  	v2 =	vld.idx.msk [tilespmem:v4+s16+$0x0], $0xffff;
	_ =	sdelay $0x1  }
0x189: {  	v4 =	vadd.s32 $0x2800, v3;
	_ =	sdelay $0x3  }
0x18a: {  	[tilespmem:s24+$0xF010] =	vst v2  }
0x18b: {  	v2 =	vld.idx.msk [tilespmem:v4+s16+$0x0], $0xffff;
	_ =	sdelay $0x1  }
0x18c: {  	s26 =	sadd.s32 $0x80, s26;
	v4 =	vadd.s32 $0x3000, v3  }
0x18d: {  	s28 =	sshra.s32 s26, $0x2  }
0x18e: {  	v5 =	vld [tilespmem:s28+$0x11020];
	_ =	sdelay $0x1  }
0x18f: {  	[tilespmem:s24+$0xF810] =	vst v2  }
0x190: {  	v2 =	vld.idx.msk [tilespmem:v4+s16+$0x0], $0xffff;
	_ =	sdelay $0x1  }
0x191: {  	v3 =	vadd.s32 $0x3800, v3;
	(xrf0) =	vadd.scan.msk.s32 $0xffff, v5;
	_ =	sdelay $0x3  }
0x192: {  	[tilespmem:s24+$0x10010] =	vst v2  }
.Ltmp4:
0x193: {  	v3 =	vld.idx.msk [tilespmem:v3+s16+$0x0], $0xffff;
	(pc) =	sbr.rel @p0 .LBB2_9-.Ltmp4, $4  }
0x194: {  	[tilespmem:s28+$0x11020] =	vst v0;
	v2, _, _ =	vpop (xrf0)  }
0x195: {  	v2 =	vadd.s32 s29, v2  }
0x196: {  	v4 =	vxor.u32 $0x80000000, v2  }
0x197: {  	(xrf0) =	vmax.scan.msk.u32 $0xffff, v4  }
0x198: {  	_ =	sdelay $0x2  }
0x199: {  	[tilespmem:s24+$0x10810] =	vst v3  }
0x19a: {  	v3 =	vld.idx.msk [tilespmem:v2+s16+$0x0], $0xffff  }
0x19b: {  	v4 =	vadd.s32 $0x800, v2;
	_ =	sdelay $0x3  }
0x19c: {  	[tilespmem:s28+$0xD000] =	vst v3  }
0x19d: {  	v3 =	vld.idx.msk [tilespmem:v4+s16+$0x0], $0xffff  }
0x19e: {  	v52 =	vadd.s32 $0x1000, v2;
	_ =	sdelay $0x3  }
0x19f: {  	[tilespmem:s28+$0xD800] =	vst v3  }
0x1a0: {  	v3 =	vld.idx.msk [tilespmem:v52+s16+$0x0], $0xffff  }
0x1a1: {  	v53 =	vadd.s32 $0x1800, v2;
	_ =	sdelay $0x3  }
0x1a2: {  	[tilespmem:s28+$0xE000] =	vst v3  }
0x1a3: {  	v3 =	vld.idx.msk [tilespmem:v53+s16+$0x0], $0xffff  }
0x1a4: {  	v54 =	vadd.s32 $0x2000, v2;
	_ =	sdelay $0x3  }
0x1a5: {  	[tilespmem:s28+$0xE800] =	vst v3  }
0x1a6: {  	v3 =	vld.idx.msk [tilespmem:v54+s16+$0x0], $0xffff  }
0x1a7: {  	v5 =	vadd.s32 $0x2800, v2;
	v55, _, _ =	vpop (xrf0)  }
0x1a8: {  	(v2sf) =	vpush v55, $0xF;
	_ =	sdelay $0x2  }
0x1a9: {  	[tilespmem:s28+$0xF000] =	vst v3  }
0x1aa: {  	v3 =	vld.idx.msk [tilespmem:v5+s16+$0x0], $0xffff  }
0x1ab: {  	v56 =	vadd.s32 $0x3000, v2;
	v57 =	vld [tilespmem:s28+$0x11030];
	_ =	sdelay $0x3  }
0x1ac: {  	[tilespmem:s28+$0xF800] =	vst v3  }
0x1ad: {  	(xrf0) =	vadd.scan.msk.s32 $0xffff, v57;
	v3 =	vld.idx.msk [tilespmem:v56+s16+$0x0], $0xffff  }
0x1ae: {  	v2 =	vadd.s32 $0x3800, v2;
	_ =	sdelay $0x3  }
0x1af: {  	s30 =	spop (v2sf);
	[tilespmem:s28+$0x10000] =	vst v3  }
0x1b0: {  	s24 =	sxor.u32 $0x80000000, s30;
	v3, _, _ =	vpop (xrf0);
	v2 =	vld.idx.msk [tilespmem:v2+s16+$0x0], $0xffff  }
0x1b1: {  	v3 =	vadd.s32 s24, v3;
	_ =	sdelay $0x2  }
0x1b2: {  	[tilespmem:s28+$0x11030] =	vst v0  }
0x1b3: {  	[tilespmem:s28+$0x10800] =	vst v2  }
0x1b4: {  	v2 =	vld.idx.msk [tilespmem:v3+s16+$0x0], $0xffff  }
0x1b5: {  	v58 =	vadd.s32 $0x800, v3;
	_ =	sdelay $0x3  }
0x1b6: {  	[tilespmem:s28+$0xD010] =	vst v2  }
0x1b7: {  	v2 =	vld.idx.msk [tilespmem:v58+s16+$0x0], $0xffff  }
0x1b8: {  	v59 =	vadd.s32 $0x1000, v3;
	_ =	sdelay $0x3  }
0x1b9: {  	[tilespmem:s28+$0xD810] =	vst v2  }
0x1ba: {  	v2 =	vld.idx.msk [tilespmem:v59+s16+$0x0], $0xffff  }
0x1bb: {  	v60 =	vadd.s32 $0x1800, v3;
	_ =	sdelay $0x3  }
0x1bc: {  	[tilespmem:s28+$0xE010] =	vst v2  }
0x1bd: {  	v2 =	vld.idx.msk [tilespmem:v60+s16+$0x0], $0xffff  }
0x1be: {  	v61 =	vadd.s32 $0x2000, v3;
	_ =	sdelay $0x3  }
0x1bf: {  	[tilespmem:s28+$0xE810] =	vst v2  }
0x1c0: {  	v2 =	vxor.u32 $0x80000000, v3;
	v4 =	vld.idx.msk [tilespmem:v61+s16+$0x0], $0xffff  }
0x1c1: {  	(xrf0) =	vmax.scan.msk.u32 $0xffff, v2;
	v2 =	vadd.s32 $0x2800, v3;
	_ =	sdelay $0x3  }
0x1c2: {  	[tilespmem:s28+$0xF010] =	vst v4  }
0x1c3: {  	v2 =	vld.idx.msk [tilespmem:v2+s16+$0x0], $0xffff  }
0x1c4: {  	v63 =	vadd.s32 $0x3000, v3;
	v62, _, _ =	vpop (xrf0)  }
0x1c5: {  	(v2sf) =	vpush v62, $0xF;
	_ =	sdelay $0x2  }
0x1c6: {  	[tilespmem:s28+$0xF810] =	vst v2  }
0x1c7: {  	v2 =	vld.idx.msk [tilespmem:v63+s16+$0x0], $0xffff  }
0x1c8: {  	v3 =	vadd.s32 $0x3800, v3;
	_ =	sdelay $0x3  }
0x1c9: {  	[tilespmem:s28+$0x10010] =	vst v2  }
0x1ca: {  	v2 =	vld.idx.msk [tilespmem:v3+s16+$0x0], $0xffff;
	_ =	sdelay $0x4  }
0x1cb: {  	s23 =	sadd.s32 $0x1, s23;
	s31 =	spop (v2sf);
	[tilespmem:s28+$0x10810] =	vst v2  }
0x1cc: {  	[hbm4b:s10+s1] =	stream.linear.scatter [tilespmem:s21], [sflag:$0x3], $0x4000, $0x38;
	[tilespmem:$0x11830] =	vst v63  }
0x1cd: {  	p0 =	sne.s32 s23, s11;
	_ =	swait.ge [sflag:s22], $0x4000  }
.Ltmp5:
0x1ce: {  	[sflag:s22] =	ssyncset.done $0x0;
	(pc) =	sbr.rel @p0 .LBB2_1-.Ltmp5, $4  }
0x1cf: {  	[sflag:s22] =	ssyncadd.s32 $0xFFFFC000  }
0x1d0: {  	_ =	swait.ge [sflag:s22], $0x4000  }
0x1d1: {  	[sflag:s22] =	ssyncset.done $0x0  }
0x1d2: {  	[sflag:s22] =	ssyncadd.s32 $0xFFFFC000  }
0x1d3: {  	_ =	sfence.sel $0x180000  }
0x1d4: {  	[bflag:$0x0] =	sbarrier.arrive $0xFFFF  }
0x1d5: {  	p0 =	sne.s32 s2, $0x0;
	_ =	strace $0x90000047  }
0x1d6: {  	s0 =	sadd.s32 @!p0 $0x100000, s0;
	[bflag:$0x2] =	sbarrier.arrive $0xFFFF  }
0x1d7: {  	[sflag:s0] =	ssyncadd.tile.s32 @!p0 $0x1;
	_ =	shalt  }
.Lfunc_end2:
_tile_overlayer_lowered:
.L_overlay_start_2:
0x1d8: {  	(tag) =	ssettag $0x2  }
0x1d9: {  	s0 =	rddreg [dreg:$0x0];
	s2 =	stileid.u32  }
0x1da: {  	s1 =	rddreg [dreg:$0x1];
	p0 =	sne.s32 s2, $0x0  }
0x1db: {  	s3 =	rddreg [dreg:$0x2];
	[bflag:$0x3] =	sbarrier.arrive $0xFFFF;
	s2 =	simm.s32 @!p0 $0x1C04  }
0x1dc: {  	[timem:s3], [sflag:s2] =	dma.local @!p0 [hbm:s0], s1  }
0x1dd: {  	s0 =	simm.s32 @!p0 $0x4  }
0x1de: {  	_ =	swait.ge @!p0 [sflag:s0], s1  }
0x1df: {  	s1 =	ssub.s32 @!p0 $0x0, s1;
	[sflag:s0] =	ssyncset.done @!p0 $0x0  }
0x1e0: {  	[sflag:s0] =	ssyncadd.s32 @!p0 s1  }
0x1e1: {  	[bflag:$0x3] =	sbarrier.arrive $0xFFFF  }
0x1e2: {  	_ =	shalt  }

</sc_bundles>
